<compile_context>
chip_gen: v7x
topology: tpu7x:2x2x1
jax: 0.10.2.dev20260603
libtpu: 0.0.44.dev20260713+nightly
codegen_flags: <defaults>
</compile_context>

<pallas_src>
import functools

import jax
import jax.numpy as jnp
from jax import lax
from jax.experimental import pallas as pl
from jax.experimental.pallas import tpu as pltpu
from jax.experimental.pallas import tpu_sc as plsc

VOCAB_SIZE = 100000
D_MODEL = 128
BATCH = 1024
SEQ = 200

_NW = 32
_N = BATCH * SEQ
_BPW = _N // _NW
_CH = 128
_NCHUNK = _BPW // _CH

_mesh = plsc.VectorSubcoreMesh(core_axis_name="c", subcore_axis_name="s")


_NSLOT = 7
_K = 6


@functools.partial(
    pl.kernel,
    out_type=jax.ShapeDtypeStruct((_N, D_MODEL), jnp.float32),
    mesh=_mesh,
    scratch_types=(
        [pltpu.VMEM((_NCHUNK, _CH), jnp.int32)]
        + [pltpu.VMEM((_CH, D_MODEL), jnp.float32)] * _NSLOT
        + [pltpu.SemaphoreType.DMA] * (2 * _NSLOT)
    ),
)
def _embed_kernel(idx_hbm, table_hbm, out_hbm, idx_v, *bufs_and_sems):
    rows = bufs_and_sems[:_NSLOT]
    sem_in = bufs_and_sems[_NSLOT:2 * _NSLOT]
    sem_out = bufs_and_sems[2 * _NSLOT:]
    wid = lax.axis_index("c") * _mesh.num_subcores + lax.axis_index("s")
    pltpu.sync_copy(idx_hbm.at[wid], idx_v)
    base = wid * _BPW

    def gather(g, b):
        pltpu.async_copy(table_hbm.at[idx_v.at[g]], rows[b], sem_in[b])

    def wait_gather(b):
        pltpu.make_async_copy(table_hbm.at[idx_v.at[0]], rows[b], sem_in[b]).wait()

    def put(g, b):
        pltpu.async_copy(rows[b], out_hbm.at[pl.ds(base + g * _CH, _CH)], sem_out[b])

    def wait_put(b):
        pltpu.make_async_copy(rows[b], out_hbm.at[pl.ds(base, _CH)], sem_out[b]).wait()

    for g in range(_K):
        gather(g, g % _NSLOT)

    def round_(p, carry):
        g0 = p * _NSLOT
        for j in range(_NSLOT):
            g = g0 + j

            @pl.when(g < _NCHUNK)
            def _chunk(g=g, j=j):
                wait_gather(j)
                put(g, j)

                @pl.when(g + _K < _NCHUNK)
                def _issue_next():
                    bn = (j + _K) % _NSLOT
                    @pl.when(g >= _NSLOT - _K)
                    def _():
                        wait_put(bn)

                    gather(g + _K, bn)

        return carry

    _nround = -(-_NCHUNK // _NSLOT)
    lax.fori_loop(0, _nround, round_, 0)
    for b in range(_NSLOT):
        wait_put(b)


def kernel(inputs, embedding):
    idx3d = inputs.reshape(_NW, _NCHUNK, _CH)
    out = _embed_kernel(idx3d, embedding)
    return out.reshape(BATCH, SEQ, D_MODEL)

# --- scband reference (transcript-rebuilt; emitter-appended) ---
"""Pipeline reference for scband-text-embed-3255585210820 (READ-ONLY COPY).

The authoritative reference and input builder live on the scoring server;
editing this copy changes nothing except your own understanding.
"""

import jax, jax.numpy as jnp
import numpy as np

VOCAB_SIZE = 100000
D_MODEL = 128
BATCH = 1024
SEQ = 200


def setup_inputs(seed: int = 0) -> dict:
    key = jax.random.key(seed)
    k_idx, k_emb = jax.random.split(key, 2)
    inputs = jax.random.randint(k_idx, (BATCH, SEQ), 0, VOCAB_SIZE, dtype=jnp.int64 if jax.config.jax_enable_x64 else jnp.int32).astype(jnp.int32)
    # nn.Embed with embedding_init=nn.initializers.normal(stddev=1.0)
    embedding = jax.random.normal(k_emb, (VOCAB_SIZE, D_MODEL), dtype=jnp.float32)
    return {"inputs": inputs, "embedding": embedding}


def reference(inputs, embedding):
    # Faithful to flax nn.Embed.__call__: a plain table gather, no scaling.
    assert inputs.ndim == 2
    x = jnp.take(embedding, inputs, axis=0)
    return x

if __name__ == "__main__":
    import jax
    _d = setup_inputs()
    print(jax.jit(kernel)(*tuple(_d.values())))

</pallas_src>

<mosaic_0001>
#map = affine_map<(d0, d1) -> (0, 0, 0)>
#map1 = affine_map<(d0, d1) -> (0, 0)>
module attributes {stable_mosaic.version = 14 : i64} {
  func.func @_embed_kernel(%arg0: i32, %arg1: i32, %arg2: memref<32x50x128xi32, #tpu.memory_space<hbm>>, %arg3: memref<100000x128xf32, #tpu.memory_space<hbm>>, %arg4: memref<204800x128xf32, #tpu.memory_space<hbm>>, %arg5: memref<50x128xi32, #tpu.memory_space<vmem>>, %arg6: memref<128x128xf32, #tpu.memory_space<vmem>>, %arg7: memref<128x128xf32, #tpu.memory_space<vmem>>, %arg8: memref<128x128xf32, #tpu.memory_space<vmem>>, %arg9: memref<128x128xf32, #tpu.memory_space<vmem>>, %arg10: memref<128x128xf32, #tpu.memory_space<vmem>>, %arg11: memref<128x128xf32, #tpu.memory_space<vmem>>, %arg12: memref<128x128xf32, #tpu.memory_space<vmem>>, %arg13: memref<!tpu.dma_semaphore, #tpu.memory_space<semaphore_mem>>, %arg14: memref<!tpu.dma_semaphore, #tpu.memory_space<semaphore_mem>>, %arg15: memref<!tpu.dma_semaphore, #tpu.memory_space<semaphore_mem>>, %arg16: memref<!tpu.dma_semaphore, #tpu.memory_space<semaphore_mem>>, %arg17: memref<!tpu.dma_semaphore, #tpu.memory_space<semaphore_mem>>, %arg18: memref<!tpu.dma_semaphore, #tpu.memory_space<semaphore_mem>>, %arg19: memref<!tpu.dma_semaphore, #tpu.memory_space<semaphore_mem>>, %arg20: memref<!tpu.dma_semaphore, #tpu.memory_space<semaphore_mem>>, %arg21: memref<!tpu.dma_semaphore, #tpu.memory_space<semaphore_mem>>, %arg22: memref<!tpu.dma_semaphore, #tpu.memory_space<semaphore_mem>>, %arg23: memref<!tpu.dma_semaphore, #tpu.memory_space<semaphore_mem>>, %arg24: memref<!tpu.dma_semaphore, #tpu.memory_space<semaphore_mem>>, %arg25: memref<!tpu.dma_semaphore, #tpu.memory_space<semaphore_mem>>, %arg26: memref<!tpu.dma_semaphore, #tpu.memory_space<semaphore_mem>>) attributes {dimension_semantics = [#tpu.dimension_semantics<core_parallel>, #tpu.dimension_semantics<subcore_parallel>], iteration_bounds = array<i64: 2, 16>, scalar_prefetch = 0 : i64, scratch_operands = 22 : i64, tpu.core_type = #tpu.core_type<sc_vector_subcore>, window_params = [{transform_indices = #map}, {transform_indices = #map1}, {transform_indices = #map1}]} {
    %mul3A = arith.constant 16 : i32
    %mul3A_0 = arith.muli %arg0, %mul3A : i32
    %add3A = arith.addi %mul3A_0, %arg1 : i32
    "tpu.region"() ({
      %run_scoped3A = tpu.sem_alloc : memref<!tpu.dma_semaphore, #tpu.memory_space<semaphore_mem>>
      %dma_start3A_76 = arith.constant 0 : i32
      %dma_start3A_77 = arith.constant 0 : i32
      %dma_start3A_78 = tpu.memref_slice %arg2[%add3A, %dma_start3A_76, %dma_start3A_77] : memref<32x50x128xi32, #tpu.memory_space<hbm>> -> memref<1x50x128xi32, #tpu.memory_space<hbm>>
      %dma_start3A_79 = tpu.memref_squeeze %dma_start3A_78 : memref<1x50x128xi32, #tpu.memory_space<hbm>> -> memref<50x128xi32, #tpu.memory_space<hbm>>
      %dma_start3A_80 = arith.constant 0 : i32
      %dma_start3A_81 = arith.constant 0 : i32
      %dma_start3A_82 = tpu.memref_slice %arg2[%add3A, %dma_start3A_80, %dma_start3A_81] : memref<32x50x128xi32, #tpu.memory_space<hbm>> -> memref<1x50x128xi32, #tpu.memory_space<hbm>>
      %dma_start3A_83 = tpu.memref_squeeze %dma_start3A_82 : memref<1x50x128xi32, #tpu.memory_space<hbm>> -> memref<50x128xi32, #tpu.memory_space<hbm>>
      tpu.enqueue_dma source(%dma_start3A_83 : memref<50x128xi32, #tpu.memory_space<hbm>>) target(%arg5 : memref<50x128xi32, #tpu.memory_space<vmem>>) target_semaphore(%run_scoped3A : memref<!tpu.dma_semaphore, #tpu.memory_space<semaphore_mem>>)
      %dma_wait3A_84 = arith.constant 0 : i32
      %dma_wait3A_85 = arith.constant 0 : i32
      %dma_wait3A_86 = tpu.memref_slice %arg2[%add3A, %dma_wait3A_84, %dma_wait3A_85] : memref<32x50x128xi32, #tpu.memory_space<hbm>> -> memref<1x50x128xi32, #tpu.memory_space<hbm>>
      %dma_wait3A_87 = tpu.memref_squeeze %dma_wait3A_86 : memref<1x50x128xi32, #tpu.memory_space<hbm>> -> memref<50x128xi32, #tpu.memory_space<hbm>>
      %dma_wait3A_88 = arith.constant 0 : i32
      %dma_wait3A_89 = arith.constant 0 : i32
      %dma_wait3A_90 = tpu.memref_slice %arg2[%add3A, %dma_wait3A_88, %dma_wait3A_89] : memref<32x50x128xi32, #tpu.memory_space<hbm>> -> memref<1x50x128xi32, #tpu.memory_space<hbm>>
      %dma_wait3A_91 = tpu.memref_squeeze %dma_wait3A_90 : memref<1x50x128xi32, #tpu.memory_space<hbm>> -> memref<50x128xi32, #tpu.memory_space<hbm>>
      tpu.wait_dma2 semaphore(%run_scoped3A : memref<!tpu.dma_semaphore, #tpu.memory_space<semaphore_mem>>) src(%dma_wait3A_91 : memref<50x128xi32, #tpu.memory_space<hbm>>) dst(%arg5 : memref<50x128xi32, #tpu.memory_space<vmem>>)
      tpu.yield
    }) : () -> ()
    %mul3A_1 = arith.constant 6400 : i32
    %mul3A_2 = arith.muli %add3A, %mul3A_1 : i32
    %dma_start3A = arith.constant 0 : i32
    %dma_start3A_3 = arith.constant 0 : i32
    %dma_start3A_4 = tpu.memref_slice %arg5[%dma_start3A, %dma_start3A_3] : memref<50x128xi32, #tpu.memory_space<vmem>> -> memref<1x128xi32, #tpu.memory_space<vmem>>
    %dma_start3A_5 = tpu.memref_squeeze %dma_start3A_4 : memref<1x128xi32, #tpu.memory_space<vmem>> -> memref<128xi32, #tpu.memory_space<vmem>>
    %dma_start3A_6 = arith.constant 0 : i32
    %dma_start3A_7 = arith.constant 0 : i32
    %dma_start3A_8 = tpu.memref_slice %arg3[%dma_start3A_6, %dma_start3A_7] : memref<100000x128xf32, #tpu.memory_space<hbm>> -> memref<100000x128xf32, #tpu.memory_space<hbm>>
    tpu.enqueue_indirect_dma source(%dma_start3A_8 : memref<100000x128xf32, #tpu.memory_space<hbm>>) target(%arg6 : memref<128x128xf32, #tpu.memory_space<vmem>>) offsets(%dma_start3A_5 : memref<128xi32, #tpu.memory_space<vmem>>) semaphore(%arg13 : memref<!tpu.dma_semaphore, #tpu.memory_space<semaphore_mem>>)
    %dma_start3A_9 = arith.constant 1 : i32
    %dma_start3A_10 = arith.constant 0 : i32
    %dma_start3A_11 = tpu.memref_slice %arg5[%dma_start3A_9, %dma_start3A_10] : memref<50x128xi32, #tpu.memory_space<vmem>> -> memref<1x128xi32, #tpu.memory_space<vmem>>
    %dma_start3A_12 = tpu.memref_squeeze %dma_start3A_11 : memref<1x128xi32, #tpu.memory_space<vmem>> -> memref<128xi32, #tpu.memory_space<vmem>>
    %dma_start3A_13 = arith.constant 0 : i32
    %dma_start3A_14 = arith.constant 0 : i32
    %dma_start3A_15 = tpu.memref_slice %arg3[%dma_start3A_13, %dma_start3A_14] : memref<100000x128xf32, #tpu.memory_space<hbm>> -> memref<100000x128xf32, #tpu.memory_space<hbm>>
    tpu.enqueue_indirect_dma source(%dma_start3A_15 : memref<100000x128xf32, #tpu.memory_space<hbm>>) target(%arg7 : memref<128x128xf32, #tpu.memory_space<vmem>>) offsets(%dma_start3A_12 : memref<128xi32, #tpu.memory_space<vmem>>) semaphore(%arg14 : memref<!tpu.dma_semaphore, #tpu.memory_space<semaphore_mem>>)
    %dma_start3A_16 = arith.constant 2 : i32
    %dma_start3A_17 = arith.constant 0 : i32
    %dma_start3A_18 = tpu.memref_slice %arg5[%dma_start3A_16, %dma_start3A_17] : memref<50x128xi32, #tpu.memory_space<vmem>> -> memref<1x128xi32, #tpu.memory_space<vmem>>
    %dma_start3A_19 = tpu.memref_squeeze %dma_start3A_18 : memref<1x128xi32, #tpu.memory_space<vmem>> -> memref<128xi32, #tpu.memory_space<vmem>>
    %dma_start3A_20 = arith.constant 0 : i32
    %dma_start3A_21 = arith.constant 0 : i32
    %dma_start3A_22 = tpu.memref_slice %arg3[%dma_start3A_20, %dma_start3A_21] : memref<100000x128xf32, #tpu.memory_space<hbm>> -> memref<100000x128xf32, #tpu.memory_space<hbm>>
    tpu.enqueue_indirect_dma source(%dma_start3A_22 : memref<100000x128xf32, #tpu.memory_space<hbm>>) target(%arg8 : memref<128x128xf32, #tpu.memory_space<vmem>>) offsets(%dma_start3A_19 : memref<128xi32, #tpu.memory_space<vmem>>) semaphore(%arg15 : memref<!tpu.dma_semaphore, #tpu.memory_space<semaphore_mem>>)
    %dma_start3A_23 = arith.constant 3 : i32
    %dma_start3A_24 = arith.constant 0 : i32
    %dma_start3A_25 = tpu.memref_slice %arg5[%dma_start3A_23, %dma_start3A_24] : memref<50x128xi32, #tpu.memory_space<vmem>> -> memref<1x128xi32, #tpu.memory_space<vmem>>
    %dma_start3A_26 = tpu.memref_squeeze %dma_start3A_25 : memref<1x128xi32, #tpu.memory_space<vmem>> -> memref<128xi32, #tpu.memory_space<vmem>>
    %dma_start3A_27 = arith.constant 0 : i32
    %dma_start3A_28 = arith.constant 0 : i32
    %dma_start3A_29 = tpu.memref_slice %arg3[%dma_start3A_27, %dma_start3A_28] : memref<100000x128xf32, #tpu.memory_space<hbm>> -> memref<100000x128xf32, #tpu.memory_space<hbm>>
    tpu.enqueue_indirect_dma source(%dma_start3A_29 : memref<100000x128xf32, #tpu.memory_space<hbm>>) target(%arg9 : memref<128x128xf32, #tpu.memory_space<vmem>>) offsets(%dma_start3A_26 : memref<128xi32, #tpu.memory_space<vmem>>) semaphore(%arg16 : memref<!tpu.dma_semaphore, #tpu.memory_space<semaphore_mem>>)
    %dma_start3A_30 = arith.constant 4 : i32
    %dma_start3A_31 = arith.constant 0 : i32
    %dma_start3A_32 = tpu.memref_slice %arg5[%dma_start3A_30, %dma_start3A_31] : memref<50x128xi32, #tpu.memory_space<vmem>> -> memref<1x128xi32, #tpu.memory_space<vmem>>
    %dma_start3A_33 = tpu.memref_squeeze %dma_start3A_32 : memref<1x128xi32, #tpu.memory_space<vmem>> -> memref<128xi32, #tpu.memory_space<vmem>>
    %dma_start3A_34 = arith.constant 0 : i32
    %dma_start3A_35 = arith.constant 0 : i32
    %dma_start3A_36 = tpu.memref_slice %arg3[%dma_start3A_34, %dma_start3A_35] : memref<100000x128xf32, #tpu.memory_space<hbm>> -> memref<100000x128xf32, #tpu.memory_space<hbm>>
    tpu.enqueue_indirect_dma source(%dma_start3A_36 : memref<100000x128xf32, #tpu.memory_space<hbm>>) target(%arg10 : memref<128x128xf32, #tpu.memory_space<vmem>>) offsets(%dma_start3A_33 : memref<128xi32, #tpu.memory_space<vmem>>) semaphore(%arg17 : memref<!tpu.dma_semaphore, #tpu.memory_space<semaphore_mem>>)
    %dma_start3A_37 = arith.constant 5 : i32
    %dma_start3A_38 = arith.constant 0 : i32
    %dma_start3A_39 = tpu.memref_slice %arg5[%dma_start3A_37, %dma_start3A_38] : memref<50x128xi32, #tpu.memory_space<vmem>> -> memref<1x128xi32, #tpu.memory_space<vmem>>
    %dma_start3A_40 = tpu.memref_squeeze %dma_start3A_39 : memref<1x128xi32, #tpu.memory_space<vmem>> -> memref<128xi32, #tpu.memory_space<vmem>>
    %dma_start3A_41 = arith.constant 0 : i32
    %dma_start3A_42 = arith.constant 0 : i32
    %dma_start3A_43 = tpu.memref_slice %arg3[%dma_start3A_41, %dma_start3A_42] : memref<100000x128xf32, #tpu.memory_space<hbm>> -> memref<100000x128xf32, #tpu.memory_space<hbm>>
    tpu.enqueue_indirect_dma source(%dma_start3A_43 : memref<100000x128xf32, #tpu.memory_space<hbm>>) target(%arg11 : memref<128x128xf32, #tpu.memory_space<vmem>>) offsets(%dma_start3A_40 : memref<128xi32, #tpu.memory_space<vmem>>) semaphore(%arg18 : memref<!tpu.dma_semaphore, #tpu.memory_space<semaphore_mem>>)
    %scan3A = arith.constant 0 : i32
    %scan3A_44 = arith.constant 0 : i32
    %scan3A_45 = arith.constant 8 : i32
    %scan3A_46 = arith.addi %scan3A_44, %scan3A_45 : i32
    %scan3A_47 = arith.constant 1 : i32
    scf.for %scan3A_76 = %scan3A_44 to %scan3A_46 step %scan3A_47  : i32 {
      %mul3A_77 = arith.constant 7 : i32
      %mul3A_78 = arith.muli %scan3A_76, %mul3A_77 : i32
      %add3A_79 = arith.constant 0 : i32
      %add3A_80 = arith.addi %mul3A_78, %add3A_79 : i32
      %lt3A = arith.constant 50 : i32
      %lt3A_81 = arith.cmpi slt, %add3A_80, %lt3A : i32
      %convert_element_type3A = arith.extui %lt3A_81 : i1 to i32
      %cond3A = arith.constant 0 : i32
      %cond3A_82 = arith.cmpi ne, %convert_element_type3A, %cond3A : i32
      scf.if %cond3A_82 {
        %dma_wait3A_125 = arith.constant 0 : i32
        %dma_wait3A_126 = arith.constant 0 : i32
        %dma_wait3A_127 = tpu.memref_slice %arg5[%dma_wait3A_125, %dma_wait3A_126] : memref<50x128xi32, #tpu.memory_space<vmem>> -> memref<1x128xi32, #tpu.memory_space<vmem>>
        %dma_wait3A_128 = tpu.memref_squeeze %dma_wait3A_127 : memref<1x128xi32, #tpu.memory_space<vmem>> -> memref<128xi32, #tpu.memory_space<vmem>>
        %dma_wait3A_129 = arith.constant 0 : i32
        %dma_wait3A_130 = arith.constant 0 : i32
        %dma_wait3A_131 = tpu.memref_slice %arg3[%dma_wait3A_129, %dma_wait3A_130] : memref<100000x128xf32, #tpu.memory_space<hbm>> -> memref<100000x128xf32, #tpu.memory_space<hbm>>
        tpu.wait_indirect_dma semaphore(%arg13 : memref<!tpu.dma_semaphore, #tpu.memory_space<semaphore_mem>>) src(%dma_wait3A_131 : memref<100000x128xf32, #tpu.memory_space<hbm>>) dst(%arg6 : memref<128x128xf32, #tpu.memory_space<vmem>>)
        %mul3A_132 = arith.constant 128 : i32
        %mul3A_133 = arith.muli %add3A_80, %mul3A_132 : i32
        %add3A_134 = arith.addi %mul3A_2, %mul3A_133 : i32
        %dma_start3A_135 = arith.constant 0 : i32
        %dma_start3A_136 = tpu.memref_slice %arg4[%add3A_134, %dma_start3A_135] : memref<204800x128xf32, #tpu.memory_space<hbm>> -> memref<128x128xf32, #tpu.memory_space<hbm>>
        %dma_start3A_137 = arith.constant 0 : i32
        %dma_start3A_138 = tpu.memref_slice %arg4[%add3A_134, %dma_start3A_137] : memref<204800x128xf32, #tpu.memory_space<hbm>> -> memref<128x128xf32, #tpu.memory_space<hbm>>
        tpu.enqueue_dma source(%arg6 : memref<128x128xf32, #tpu.memory_space<vmem>>) target(%dma_start3A_138 : memref<128x128xf32, #tpu.memory_space<hbm>>) target_semaphore(%arg20 : memref<!tpu.dma_semaphore, #tpu.memory_space<semaphore_mem>>)
        %add3A_139 = arith.constant 6 : i32
        %add3A_140 = arith.addi %add3A_80, %add3A_139 : i32
        %lt3A_141 = arith.constant 50 : i32
        %lt3A_142 = arith.cmpi slt, %add3A_140, %lt3A_141 : i32
        %convert_element_type3A_143 = arith.extui %lt3A_142 : i1 to i32
        %cond3A_144 = arith.constant 0 : i32
        %cond3A_145 = arith.cmpi ne, %convert_element_type3A_143, %cond3A_144 : i32
        scf.if %cond3A_145 {
          %ge3A = arith.constant 1 : i32
          %ge3A_146 = arith.cmpi sge, %add3A_80, %ge3A : i32
          %convert_element_type3A_147 = arith.extui %ge3A_146 : i1 to i32
          %cond3A_148 = arith.constant 0 : i32
          %cond3A_149 = arith.cmpi ne, %convert_element_type3A_147, %cond3A_148 : i32
          scf.if %cond3A_149 {
            %dma_wait3A_158 = arith.constant 0 : i32
            %dma_wait3A_159 = tpu.memref_slice %arg4[%mul3A_2, %dma_wait3A_158] : memref<204800x128xf32, #tpu.memory_space<hbm>> -> memref<128x128xf32, #tpu.memory_space<hbm>>
            %dma_wait3A_160 = arith.constant 0 : i32
            %dma_wait3A_161 = tpu.memref_slice %arg4[%mul3A_2, %dma_wait3A_160] : memref<204800x128xf32, #tpu.memory_space<hbm>> -> memref<128x128xf32, #tpu.memory_space<hbm>>
            tpu.wait_dma2 semaphore(%arg26 : memref<!tpu.dma_semaphore, #tpu.memory_space<semaphore_mem>>) src(%arg12 : memref<128x128xf32, #tpu.memory_space<vmem>>) dst(%dma_wait3A_161 : memref<128x128xf32, #tpu.memory_space<hbm>>)
          } else {
          }
          %add3A_150 = arith.constant 6 : i32
          %add3A_151 = arith.addi %add3A_80, %add3A_150 : i32
          %dma_start3A_152 = arith.constant 0 : i32
          %dma_start3A_153 = tpu.memref_slice %arg5[%add3A_151, %dma_start3A_152] : memref<50x128xi32, #tpu.memory_space<vmem>> -> memref<1x128xi32, #tpu.memory_space<vmem>>
          %dma_start3A_154 = tpu.memref_squeeze %dma_start3A_153 : memref<1x128xi32, #tpu.memory_space<vmem>> -> memref<128xi32, #tpu.memory_space<vmem>>
          %dma_start3A_155 = arith.constant 0 : i32
          %dma_start3A_156 = arith.constant 0 : i32
          %dma_start3A_157 = tpu.memref_slice %arg3[%dma_start3A_155, %dma_start3A_156] : memref<100000x128xf32, #tpu.memory_space<hbm>> -> memref<100000x128xf32, #tpu.memory_space<hbm>>
          tpu.enqueue_indirect_dma source(%dma_start3A_157 : memref<100000x128xf32, #tpu.memory_space<hbm>>) target(%arg12 : memref<128x128xf32, #tpu.memory_space<vmem>>) offsets(%dma_start3A_154 : memref<128xi32, #tpu.memory_space<vmem>>) semaphore(%arg19 : memref<!tpu.dma_semaphore, #tpu.memory_space<semaphore_mem>>)
        } else {
        }
      } else {
      }
      %add3A_83 = arith.constant 1 : i32
      %add3A_84 = arith.addi %mul3A_78, %add3A_83 : i32
      %lt3A_85 = arith.constant 50 : i32
      %lt3A_86 = arith.cmpi slt, %add3A_84, %lt3A_85 : i32
      %convert_element_type3A_87 = arith.extui %lt3A_86 : i1 to i32
      %cond3A_88 = arith.constant 0 : i32
      %cond3A_89 = arith.cmpi ne, %convert_element_type3A_87, %cond3A_88 : i32
      scf.if %cond3A_89 {
        %dma_wait3A_125 = arith.constant 0 : i32
        %dma_wait3A_126 = arith.constant 0 : i32
        %dma_wait3A_127 = tpu.memref_slice %arg5[%dma_wait3A_125, %dma_wait3A_126] : memref<50x128xi32, #tpu.memory_space<vmem>> -> memref<1x128xi32, #tpu.memory_space<vmem>>
        %dma_wait3A_128 = tpu.memref_squeeze %dma_wait3A_127 : memref<1x128xi32, #tpu.memory_space<vmem>> -> memref<128xi32, #tpu.memory_space<vmem>>
        %dma_wait3A_129 = arith.constant 0 : i32
        %dma_wait3A_130 = arith.constant 0 : i32
        %dma_wait3A_131 = tpu.memref_slice %arg3[%dma_wait3A_129, %dma_wait3A_130] : memref<100000x128xf32, #tpu.memory_space<hbm>> -> memref<100000x128xf32, #tpu.memory_space<hbm>>
        tpu.wait_indirect_dma semaphore(%arg14 : memref<!tpu.dma_semaphore, #tpu.memory_space<semaphore_mem>>) src(%dma_wait3A_131 : memref<100000x128xf32, #tpu.memory_space<hbm>>) dst(%arg7 : memref<128x128xf32, #tpu.memory_space<vmem>>)
        %mul3A_132 = arith.constant 128 : i32
        %mul3A_133 = arith.muli %add3A_84, %mul3A_132 : i32
        %add3A_134 = arith.addi %mul3A_2, %mul3A_133 : i32
        %dma_start3A_135 = arith.constant 0 : i32
        %dma_start3A_136 = tpu.memref_slice %arg4[%add3A_134, %dma_start3A_135] : memref<204800x128xf32, #tpu.memory_space<hbm>> -> memref<128x128xf32, #tpu.memory_space<hbm>>
        %dma_start3A_137 = arith.constant 0 : i32
        %dma_start3A_138 = tpu.memref_slice %arg4[%add3A_134, %dma_start3A_137] : memref<204800x128xf32, #tpu.memory_space<hbm>> -> memref<128x128xf32, #tpu.memory_space<hbm>>
        tpu.enqueue_dma source(%arg7 : memref<128x128xf32, #tpu.memory_space<vmem>>) target(%dma_start3A_138 : memref<128x128xf32, #tpu.memory_space<hbm>>) target_semaphore(%arg21 : memref<!tpu.dma_semaphore, #tpu.memory_space<semaphore_mem>>)
        %add3A_139 = arith.constant 6 : i32
        %add3A_140 = arith.addi %add3A_84, %add3A_139 : i32
        %lt3A_141 = arith.constant 50 : i32
        %lt3A_142 = arith.cmpi slt, %add3A_140, %lt3A_141 : i32
        %convert_element_type3A_143 = arith.extui %lt3A_142 : i1 to i32
        %cond3A_144 = arith.constant 0 : i32
        %cond3A_145 = arith.cmpi ne, %convert_element_type3A_143, %cond3A_144 : i32
        scf.if %cond3A_145 {
          %ge3A = arith.constant 1 : i32
          %ge3A_146 = arith.cmpi sge, %add3A_84, %ge3A : i32
          %convert_element_type3A_147 = arith.extui %ge3A_146 : i1 to i32
          %cond3A_148 = arith.constant 0 : i32
          %cond3A_149 = arith.cmpi ne, %convert_element_type3A_147, %cond3A_148 : i32
          scf.if %cond3A_149 {
            %dma_wait3A_158 = arith.constant 0 : i32
            %dma_wait3A_159 = tpu.memref_slice %arg4[%mul3A_2, %dma_wait3A_158] : memref<204800x128xf32, #tpu.memory_space<hbm>> -> memref<128x128xf32, #tpu.memory_space<hbm>>
            %dma_wait3A_160 = arith.constant 0 : i32
            %dma_wait3A_161 = tpu.memref_slice %arg4[%mul3A_2, %dma_wait3A_160] : memref<204800x128xf32, #tpu.memory_space<hbm>> -> memref<128x128xf32, #tpu.memory_space<hbm>>
            tpu.wait_dma2 semaphore(%arg20 : memref<!tpu.dma_semaphore, #tpu.memory_space<semaphore_mem>>) src(%arg6 : memref<128x128xf32, #tpu.memory_space<vmem>>) dst(%dma_wait3A_161 : memref<128x128xf32, #tpu.memory_space<hbm>>)
          } else {
          }
          %add3A_150 = arith.constant 6 : i32
          %add3A_151 = arith.addi %add3A_84, %add3A_150 : i32
          %dma_start3A_152 = arith.constant 0 : i32
          %dma_start3A_153 = tpu.memref_slice %arg5[%add3A_151, %dma_start3A_152] : memref<50x128xi32, #tpu.memory_space<vmem>> -> memref<1x128xi32, #tpu.memory_space<vmem>>
          %dma_start3A_154 = tpu.memref_squeeze %dma_start3A_153 : memref<1x128xi32, #tpu.memory_space<vmem>> -> memref<128xi32, #tpu.memory_space<vmem>>
          %dma_start3A_155 = arith.constant 0 : i32
          %dma_start3A_156 = arith.constant 0 : i32
          %dma_start3A_157 = tpu.memref_slice %arg3[%dma_start3A_155, %dma_start3A_156] : memref<100000x128xf32, #tpu.memory_space<hbm>> -> memref<100000x128xf32, #tpu.memory_space<hbm>>
          tpu.enqueue_indirect_dma source(%dma_start3A_157 : memref<100000x128xf32, #tpu.memory_space<hbm>>) target(%arg6 : memref<128x128xf32, #tpu.memory_space<vmem>>) offsets(%dma_start3A_154 : memref<128xi32, #tpu.memory_space<vmem>>) semaphore(%arg13 : memref<!tpu.dma_semaphore, #tpu.memory_space<semaphore_mem>>)
        } else {
        }
      } else {
      }
      %add3A_90 = arith.constant 2 : i32
      %add3A_91 = arith.addi %mul3A_78, %add3A_90 : i32
      %lt3A_92 = arith.constant 50 : i32
      %lt3A_93 = arith.cmpi slt, %add3A_91, %lt3A_92 : i32
      %convert_element_type3A_94 = arith.extui %lt3A_93 : i1 to i32
      %cond3A_95 = arith.constant 0 : i32
      %cond3A_96 = arith.cmpi ne, %convert_element_type3A_94, %cond3A_95 : i32
      scf.if %cond3A_96 {
        %dma_wait3A_125 = arith.constant 0 : i32
        %dma_wait3A_126 = arith.constant 0 : i32
        %dma_wait3A_127 = tpu.memref_slice %arg5[%dma_wait3A_125, %dma_wait3A_126] : memref<50x128xi32, #tpu.memory_space<vmem>> -> memref<1x128xi32, #tpu.memory_space<vmem>>
        %dma_wait3A_128 = tpu.memref_squeeze %dma_wait3A_127 : memref<1x128xi32, #tpu.memory_space<vmem>> -> memref<128xi32, #tpu.memory_space<vmem>>
        %dma_wait3A_129 = arith.constant 0 : i32
        %dma_wait3A_130 = arith.constant 0 : i32
        %dma_wait3A_131 = tpu.memref_slice %arg3[%dma_wait3A_129, %dma_wait3A_130] : memref<100000x128xf32, #tpu.memory_space<hbm>> -> memref<100000x128xf32, #tpu.memory_space<hbm>>
        tpu.wait_indirect_dma semaphore(%arg15 : memref<!tpu.dma_semaphore, #tpu.memory_space<semaphore_mem>>) src(%dma_wait3A_131 : memref<100000x128xf32, #tpu.memory_space<hbm>>) dst(%arg8 : memref<128x128xf32, #tpu.memory_space<vmem>>)
        %mul3A_132 = arith.constant 128 : i32
        %mul3A_133 = arith.muli %add3A_91, %mul3A_132 : i32
        %add3A_134 = arith.addi %mul3A_2, %mul3A_133 : i32
        %dma_start3A_135 = arith.constant 0 : i32
        %dma_start3A_136 = tpu.memref_slice %arg4[%add3A_134, %dma_start3A_135] : memref<204800x128xf32, #tpu.memory_space<hbm>> -> memref<128x128xf32, #tpu.memory_space<hbm>>
        %dma_start3A_137 = arith.constant 0 : i32
        %dma_start3A_138 = tpu.memref_slice %arg4[%add3A_134, %dma_start3A_137] : memref<204800x128xf32, #tpu.memory_space<hbm>> -> memref<128x128xf32, #tpu.memory_space<hbm>>
        tpu.enqueue_dma source(%arg8 : memref<128x128xf32, #tpu.memory_space<vmem>>) target(%dma_start3A_138 : memref<128x128xf32, #tpu.memory_space<hbm>>) target_semaphore(%arg22 : memref<!tpu.dma_semaphore, #tpu.memory_space<semaphore_mem>>)
        %add3A_139 = arith.constant 6 : i32
        %add3A_140 = arith.addi %add3A_91, %add3A_139 : i32
        %lt3A_141 = arith.constant 50 : i32
        %lt3A_142 = arith.cmpi slt, %add3A_140, %lt3A_141 : i32
        %convert_element_type3A_143 = arith.extui %lt3A_142 : i1 to i32
        %cond3A_144 = arith.constant 0 : i32
        %cond3A_145 = arith.cmpi ne, %convert_element_type3A_143, %cond3A_144 : i32
        scf.if %cond3A_145 {
          %ge3A = arith.constant 1 : i32
          %ge3A_146 = arith.cmpi sge, %add3A_91, %ge3A : i32
          %convert_element_type3A_147 = arith.extui %ge3A_146 : i1 to i32
          %cond3A_148 = arith.constant 0 : i32
          %cond3A_149 = arith.cmpi ne, %convert_element_type3A_147, %cond3A_148 : i32
          scf.if %cond3A_149 {
            %dma_wait3A_158 = arith.constant 0 : i32
            %dma_wait3A_159 = tpu.memref_slice %arg4[%mul3A_2, %dma_wait3A_158] : memref<204800x128xf32, #tpu.memory_space<hbm>> -> memref<128x128xf32, #tpu.memory_space<hbm>>
            %dma_wait3A_160 = arith.constant 0 : i32
            %dma_wait3A_161 = tpu.memref_slice %arg4[%mul3A_2, %dma_wait3A_160] : memref<204800x128xf32, #tpu.memory_space<hbm>> -> memref<128x128xf32, #tpu.memory_space<hbm>>
            tpu.wait_dma2 semaphore(%arg21 : memref<!tpu.dma_semaphore, #tpu.memory_space<semaphore_mem>>) src(%arg7 : memref<128x128xf32, #tpu.memory_space<vmem>>) dst(%dma_wait3A_161 : memref<128x128xf32, #tpu.memory_space<hbm>>)
          } else {
          }
          %add3A_150 = arith.constant 6 : i32
          %add3A_151 = arith.addi %add3A_91, %add3A_150 : i32
          %dma_start3A_152 = arith.constant 0 : i32
          %dma_start3A_153 = tpu.memref_slice %arg5[%add3A_151, %dma_start3A_152] : memref<50x128xi32, #tpu.memory_space<vmem>> -> memref<1x128xi32, #tpu.memory_space<vmem>>
          %dma_start3A_154 = tpu.memref_squeeze %dma_start3A_153 : memref<1x128xi32, #tpu.memory_space<vmem>> -> memref<128xi32, #tpu.memory_space<vmem>>
          %dma_start3A_155 = arith.constant 0 : i32
          %dma_start3A_156 = arith.constant 0 : i32
          %dma_start3A_157 = tpu.memref_slice %arg3[%dma_start3A_155, %dma_start3A_156] : memref<100000x128xf32, #tpu.memory_space<hbm>> -> memref<100000x128xf32, #tpu.memory_space<hbm>>
          tpu.enqueue_indirect_dma source(%dma_start3A_157 : memref<100000x128xf32, #tpu.memory_space<hbm>>) target(%arg7 : memref<128x128xf32, #tpu.memory_space<vmem>>) offsets(%dma_start3A_154 : memref<128xi32, #tpu.memory_space<vmem>>) semaphore(%arg14 : memref<!tpu.dma_semaphore, #tpu.memory_space<semaphore_mem>>)
        } else {
        }
      } else {
      }
      %add3A_97 = arith.constant 3 : i32
      %add3A_98 = arith.addi %mul3A_78, %add3A_97 : i32
      %lt3A_99 = arith.constant 50 : i32
      %lt3A_100 = arith.cmpi slt, %add3A_98, %lt3A_99 : i32
      %convert_element_type3A_101 = arith.extui %lt3A_100 : i1 to i32
      %cond3A_102 = arith.constant 0 : i32
      %cond3A_103 = arith.cmpi ne, %convert_element_type3A_101, %cond3A_102 : i32
      scf.if %cond3A_103 {
        %dma_wait3A_125 = arith.constant 0 : i32
        %dma_wait3A_126 = arith.constant 0 : i32
        %dma_wait3A_127 = tpu.memref_slice %arg5[%dma_wait3A_125, %dma_wait3A_126] : memref<50x128xi32, #tpu.memory_space<vmem>> -> memref<1x128xi32, #tpu.memory_space<vmem>>
        %dma_wait3A_128 = tpu.memref_squeeze %dma_wait3A_127 : memref<1x128xi32, #tpu.memory_space<vmem>> -> memref<128xi32, #tpu.memory_space<vmem>>
        %dma_wait3A_129 = arith.constant 0 : i32
        %dma_wait3A_130 = arith.constant 0 : i32
        %dma_wait3A_131 = tpu.memref_slice %arg3[%dma_wait3A_129, %dma_wait3A_130] : memref<100000x128xf32, #tpu.memory_space<hbm>> -> memref<100000x128xf32, #tpu.memory_space<hbm>>
        tpu.wait_indirect_dma semaphore(%arg16 : memref<!tpu.dma_semaphore, #tpu.memory_space<semaphore_mem>>) src(%dma_wait3A_131 : memref<100000x128xf32, #tpu.memory_space<hbm>>) dst(%arg9 : memref<128x128xf32, #tpu.memory_space<vmem>>)
        %mul3A_132 = arith.constant 128 : i32
        %mul3A_133 = arith.muli %add3A_98, %mul3A_132 : i32
        %add3A_134 = arith.addi %mul3A_2, %mul3A_133 : i32
        %dma_start3A_135 = arith.constant 0 : i32
        %dma_start3A_136 = tpu.memref_slice %arg4[%add3A_134, %dma_start3A_135] : memref<204800x128xf32, #tpu.memory_space<hbm>> -> memref<128x128xf32, #tpu.memory_space<hbm>>
        %dma_start3A_137 = arith.constant 0 : i32
        %dma_start3A_138 = tpu.memref_slice %arg4[%add3A_134, %dma_start3A_137] : memref<204800x128xf32, #tpu.memory_space<hbm>> -> memref<128x128xf32, #tpu.memory_space<hbm>>
        tpu.enqueue_dma source(%arg9 : memref<128x128xf32, #tpu.memory_space<vmem>>) target(%dma_start3A_138 : memref<128x128xf32, #tpu.memory_space<hbm>>) target_semaphore(%arg23 : memref<!tpu.dma_semaphore, #tpu.memory_space<semaphore_mem>>)
        %add3A_139 = arith.constant 6 : i32
        %add3A_140 = arith.addi %add3A_98, %add3A_139 : i32
        %lt3A_141 = arith.constant 50 : i32
        %lt3A_142 = arith.cmpi slt, %add3A_140, %lt3A_141 : i32
        %convert_element_type3A_143 = arith.extui %lt3A_142 : i1 to i32
        %cond3A_144 = arith.constant 0 : i32
        %cond3A_145 = arith.cmpi ne, %convert_element_type3A_143, %cond3A_144 : i32
        scf.if %cond3A_145 {
          %ge3A = arith.constant 1 : i32
          %ge3A_146 = arith.cmpi sge, %add3A_98, %ge3A : i32
          %convert_element_type3A_147 = arith.extui %ge3A_146 : i1 to i32
          %cond3A_148 = arith.constant 0 : i32
          %cond3A_149 = arith.cmpi ne, %convert_element_type3A_147, %cond3A_148 : i32
          scf.if %cond3A_149 {
            %dma_wait3A_158 = arith.constant 0 : i32
            %dma_wait3A_159 = tpu.memref_slice %arg4[%mul3A_2, %dma_wait3A_158] : memref<204800x128xf32, #tpu.memory_space<hbm>> -> memref<128x128xf32, #tpu.memory_space<hbm>>
            %dma_wait3A_160 = arith.constant 0 : i32
            %dma_wait3A_161 = tpu.memref_slice %arg4[%mul3A_2, %dma_wait3A_160] : memref<204800x128xf32, #tpu.memory_space<hbm>> -> memref<128x128xf32, #tpu.memory_space<hbm>>
            tpu.wait_dma2 semaphore(%arg22 : memref<!tpu.dma_semaphore, #tpu.memory_space<semaphore_mem>>) src(%arg8 : memref<128x128xf32, #tpu.memory_space<vmem>>) dst(%dma_wait3A_161 : memref<128x128xf32, #tpu.memory_space<hbm>>)
          } else {
          }
          %add3A_150 = arith.constant 6 : i32
          %add3A_151 = arith.addi %add3A_98, %add3A_150 : i32
          %dma_start3A_152 = arith.constant 0 : i32
          %dma_start3A_153 = tpu.memref_slice %arg5[%add3A_151, %dma_start3A_152] : memref<50x128xi32, #tpu.memory_space<vmem>> -> memref<1x128xi32, #tpu.memory_space<vmem>>
          %dma_start3A_154 = tpu.memref_squeeze %dma_start3A_153 : memref<1x128xi32, #tpu.memory_space<vmem>> -> memref<128xi32, #tpu.memory_space<vmem>>
          %dma_start3A_155 = arith.constant 0 : i32
          %dma_start3A_156 = arith.constant 0 : i32
          %dma_start3A_157 = tpu.memref_slice %arg3[%dma_start3A_155, %dma_start3A_156] : memref<100000x128xf32, #tpu.memory_space<hbm>> -> memref<100000x128xf32, #tpu.memory_space<hbm>>
          tpu.enqueue_indirect_dma source(%dma_start3A_157 : memref<100000x128xf32, #tpu.memory_space<hbm>>) target(%arg8 : memref<128x128xf32, #tpu.memory_space<vmem>>) offsets(%dma_start3A_154 : memref<128xi32, #tpu.memory_space<vmem>>) semaphore(%arg15 : memref<!tpu.dma_semaphore, #tpu.memory_space<semaphore_mem>>)
        } else {
        }
      } else {
      }
      %add3A_104 = arith.constant 4 : i32
      %add3A_105 = arith.addi %mul3A_78, %add3A_104 : i32
      %lt3A_106 = arith.constant 50 : i32
      %lt3A_107 = arith.cmpi slt, %add3A_105, %lt3A_106 : i32
      %convert_element_type3A_108 = arith.extui %lt3A_107 : i1 to i32
      %cond3A_109 = arith.constant 0 : i32
      %cond3A_110 = arith.cmpi ne, %convert_element_type3A_108, %cond3A_109 : i32
      scf.if %cond3A_110 {
        %dma_wait3A_125 = arith.constant 0 : i32
        %dma_wait3A_126 = arith.constant 0 : i32
        %dma_wait3A_127 = tpu.memref_slice %arg5[%dma_wait3A_125, %dma_wait3A_126] : memref<50x128xi32, #tpu.memory_space<vmem>> -> memref<1x128xi32, #tpu.memory_space<vmem>>
        %dma_wait3A_128 = tpu.memref_squeeze %dma_wait3A_127 : memref<1x128xi32, #tpu.memory_space<vmem>> -> memref<128xi32, #tpu.memory_space<vmem>>
        %dma_wait3A_129 = arith.constant 0 : i32
        %dma_wait3A_130 = arith.constant 0 : i32
        %dma_wait3A_131 = tpu.memref_slice %arg3[%dma_wait3A_129, %dma_wait3A_130] : memref<100000x128xf32, #tpu.memory_space<hbm>> -> memref<100000x128xf32, #tpu.memory_space<hbm>>
        tpu.wait_indirect_dma semaphore(%arg17 : memref<!tpu.dma_semaphore, #tpu.memory_space<semaphore_mem>>) src(%dma_wait3A_131 : memref<100000x128xf32, #tpu.memory_space<hbm>>) dst(%arg10 : memref<128x128xf32, #tpu.memory_space<vmem>>)
        %mul3A_132 = arith.constant 128 : i32
        %mul3A_133 = arith.muli %add3A_105, %mul3A_132 : i32
        %add3A_134 = arith.addi %mul3A_2, %mul3A_133 : i32
        %dma_start3A_135 = arith.constant 0 : i32
        %dma_start3A_136 = tpu.memref_slice %arg4[%add3A_134, %dma_start3A_135] : memref<204800x128xf32, #tpu.memory_space<hbm>> -> memref<128x128xf32, #tpu.memory_space<hbm>>
        %dma_start3A_137 = arith.constant 0 : i32
        %dma_start3A_138 = tpu.memref_slice %arg4[%add3A_134, %dma_start3A_137] : memref<204800x128xf32, #tpu.memory_space<hbm>> -> memref<128x128xf32, #tpu.memory_space<hbm>>
        tpu.enqueue_dma source(%arg10 : memref<128x128xf32, #tpu.memory_space<vmem>>) target(%dma_start3A_138 : memref<128x128xf32, #tpu.memory_space<hbm>>) target_semaphore(%arg24 : memref<!tpu.dma_semaphore, #tpu.memory_space<semaphore_mem>>)
        %add3A_139 = arith.constant 6 : i32
        %add3A_140 = arith.addi %add3A_105, %add3A_139 : i32
        %lt3A_141 = arith.constant 50 : i32
        %lt3A_142 = arith.cmpi slt, %add3A_140, %lt3A_141 : i32
        %convert_element_type3A_143 = arith.extui %lt3A_142 : i1 to i32
        %cond3A_144 = arith.constant 0 : i32
        %cond3A_145 = arith.cmpi ne, %convert_element_type3A_143, %cond3A_144 : i32
        scf.if %cond3A_145 {
          %ge3A = arith.constant 1 : i32
          %ge3A_146 = arith.cmpi sge, %add3A_105, %ge3A : i32
          %convert_element_type3A_147 = arith.extui %ge3A_146 : i1 to i32
          %cond3A_148 = arith.constant 0 : i32
          %cond3A_149 = arith.cmpi ne, %convert_element_type3A_147, %cond3A_148 : i32
          scf.if %cond3A_149 {
            %dma_wait3A_158 = arith.constant 0 : i32
            %dma_wait3A_159 = tpu.memref_slice %arg4[%mul3A_2, %dma_wait3A_158] : memref<204800x128xf32, #tpu.memory_space<hbm>> -> memref<128x128xf32, #tpu.memory_space<hbm>>
            %dma_wait3A_160 = arith.constant 0 : i32
            %dma_wait3A_161 = tpu.memref_slice %arg4[%mul3A_2, %dma_wait3A_160] : memref<204800x128xf32, #tpu.memory_space<hbm>> -> memref<128x128xf32, #tpu.memory_space<hbm>>
            tpu.wait_dma2 semaphore(%arg23 : memref<!tpu.dma_semaphore, #tpu.memory_space<semaphore_mem>>) src(%arg9 : memref<128x128xf32, #tpu.memory_space<vmem>>) dst(%dma_wait3A_161 : memref<128x128xf32, #tpu.memory_space<hbm>>)
          } else {
          }
          %add3A_150 = arith.constant 6 : i32
          %add3A_151 = arith.addi %add3A_105, %add3A_150 : i32
          %dma_start3A_152 = arith.constant 0 : i32
          %dma_start3A_153 = tpu.memref_slice %arg5[%add3A_151, %dma_start3A_152] : memref<50x128xi32, #tpu.memory_space<vmem>> -> memref<1x128xi32, #tpu.memory_space<vmem>>
          %dma_start3A_154 = tpu.memref_squeeze %dma_start3A_153 : memref<1x128xi32, #tpu.memory_space<vmem>> -> memref<128xi32, #tpu.memory_space<vmem>>
          %dma_start3A_155 = arith.constant 0 : i32
          %dma_start3A_156 = arith.constant 0 : i32
          %dma_start3A_157 = tpu.memref_slice %arg3[%dma_start3A_155, %dma_start3A_156] : memref<100000x128xf32, #tpu.memory_space<hbm>> -> memref<100000x128xf32, #tpu.memory_space<hbm>>
          tpu.enqueue_indirect_dma source(%dma_start3A_157 : memref<100000x128xf32, #tpu.memory_space<hbm>>) target(%arg9 : memref<128x128xf32, #tpu.memory_space<vmem>>) offsets(%dma_start3A_154 : memref<128xi32, #tpu.memory_space<vmem>>) semaphore(%arg16 : memref<!tpu.dma_semaphore, #tpu.memory_space<semaphore_mem>>)
        } else {
        }
      } else {
      }
      %add3A_111 = arith.constant 5 : i32
      %add3A_112 = arith.addi %mul3A_78, %add3A_111 : i32
      %lt3A_113 = arith.constant 50 : i32
      %lt3A_114 = arith.cmpi slt, %add3A_112, %lt3A_113 : i32
      %convert_element_type3A_115 = arith.extui %lt3A_114 : i1 to i32
      %cond3A_116 = arith.constant 0 : i32
      %cond3A_117 = arith.cmpi ne, %convert_element_type3A_115, %cond3A_116 : i32
      scf.if %cond3A_117 {
        %dma_wait3A_125 = arith.constant 0 : i32
        %dma_wait3A_126 = arith.constant 0 : i32
        %dma_wait3A_127 = tpu.memref_slice %arg5[%dma_wait3A_125, %dma_wait3A_126] : memref<50x128xi32, #tpu.memory_space<vmem>> -> memref<1x128xi32, #tpu.memory_space<vmem>>
        %dma_wait3A_128 = tpu.memref_squeeze %dma_wait3A_127 : memref<1x128xi32, #tpu.memory_space<vmem>> -> memref<128xi32, #tpu.memory_space<vmem>>
        %dma_wait3A_129 = arith.constant 0 : i32
        %dma_wait3A_130 = arith.constant 0 : i32
        %dma_wait3A_131 = tpu.memref_slice %arg3[%dma_wait3A_129, %dma_wait3A_130] : memref<100000x128xf32, #tpu.memory_space<hbm>> -> memref<100000x128xf32, #tpu.memory_space<hbm>>
        tpu.wait_indirect_dma semaphore(%arg18 : memref<!tpu.dma_semaphore, #tpu.memory_space<semaphore_mem>>) src(%dma_wait3A_131 : memref<100000x128xf32, #tpu.memory_space<hbm>>) dst(%arg11 : memref<128x128xf32, #tpu.memory_space<vmem>>)
        %mul3A_132 = arith.constant 128 : i32
        %mul3A_133 = arith.muli %add3A_112, %mul3A_132 : i32
        %add3A_134 = arith.addi %mul3A_2, %mul3A_133 : i32
        %dma_start3A_135 = arith.constant 0 : i32
        %dma_start3A_136 = tpu.memref_slice %arg4[%add3A_134, %dma_start3A_135] : memref<204800x128xf32, #tpu.memory_space<hbm>> -> memref<128x128xf32, #tpu.memory_space<hbm>>
        %dma_start3A_137 = arith.constant 0 : i32
        %dma_start3A_138 = tpu.memref_slice %arg4[%add3A_134, %dma_start3A_137] : memref<204800x128xf32, #tpu.memory_space<hbm>> -> memref<128x128xf32, #tpu.memory_space<hbm>>
        tpu.enqueue_dma source(%arg11 : memref<128x128xf32, #tpu.memory_space<vmem>>) target(%dma_start3A_138 : memref<128x128xf32, #tpu.memory_space<hbm>>) target_semaphore(%arg25 : memref<!tpu.dma_semaphore, #tpu.memory_space<semaphore_mem>>)
        %add3A_139 = arith.constant 6 : i32
        %add3A_140 = arith.addi %add3A_112, %add3A_139 : i32
        %lt3A_141 = arith.constant 50 : i32
        %lt3A_142 = arith.cmpi slt, %add3A_140, %lt3A_141 : i32
        %convert_element_type3A_143 = arith.extui %lt3A_142 : i1 to i32
        %cond3A_144 = arith.constant 0 : i32
        %cond3A_145 = arith.cmpi ne, %convert_element_type3A_143, %cond3A_144 : i32
        scf.if %cond3A_145 {
          %ge3A = arith.constant 1 : i32
          %ge3A_146 = arith.cmpi sge, %add3A_112, %ge3A : i32
          %convert_element_type3A_147 = arith.extui %ge3A_146 : i1 to i32
          %cond3A_148 = arith.constant 0 : i32
          %cond3A_149 = arith.cmpi ne, %convert_element_type3A_147, %cond3A_148 : i32
          scf.if %cond3A_149 {
            %dma_wait3A_158 = arith.constant 0 : i32
            %dma_wait3A_159 = tpu.memref_slice %arg4[%mul3A_2, %dma_wait3A_158] : memref<204800x128xf32, #tpu.memory_space<hbm>> -> memref<128x128xf32, #tpu.memory_space<hbm>>
            %dma_wait3A_160 = arith.constant 0 : i32
            %dma_wait3A_161 = tpu.memref_slice %arg4[%mul3A_2, %dma_wait3A_160] : memref<204800x128xf32, #tpu.memory_space<hbm>> -> memref<128x128xf32, #tpu.memory_space<hbm>>
            tpu.wait_dma2 semaphore(%arg24 : memref<!tpu.dma_semaphore, #tpu.memory_space<semaphore_mem>>) src(%arg10 : memref<128x128xf32, #tpu.memory_space<vmem>>) dst(%dma_wait3A_161 : memref<128x128xf32, #tpu.memory_space<hbm>>)
          } else {
          }
          %add3A_150 = arith.constant 6 : i32
          %add3A_151 = arith.addi %add3A_112, %add3A_150 : i32
          %dma_start3A_152 = arith.constant 0 : i32
          %dma_start3A_153 = tpu.memref_slice %arg5[%add3A_151, %dma_start3A_152] : memref<50x128xi32, #tpu.memory_space<vmem>> -> memref<1x128xi32, #tpu.memory_space<vmem>>
          %dma_start3A_154 = tpu.memref_squeeze %dma_start3A_153 : memref<1x128xi32, #tpu.memory_space<vmem>> -> memref<128xi32, #tpu.memory_space<vmem>>
          %dma_start3A_155 = arith.constant 0 : i32
          %dma_start3A_156 = arith.constant 0 : i32
          %dma_start3A_157 = tpu.memref_slice %arg3[%dma_start3A_155, %dma_start3A_156] : memref<100000x128xf32, #tpu.memory_space<hbm>> -> memref<100000x128xf32, #tpu.memory_space<hbm>>
          tpu.enqueue_indirect_dma source(%dma_start3A_157 : memref<100000x128xf32, #tpu.memory_space<hbm>>) target(%arg10 : memref<128x128xf32, #tpu.memory_space<vmem>>) offsets(%dma_start3A_154 : memref<128xi32, #tpu.memory_space<vmem>>) semaphore(%arg17 : memref<!tpu.dma_semaphore, #tpu.memory_space<semaphore_mem>>)
        } else {
        }
      } else {
      }
      %add3A_118 = arith.constant 6 : i32
      %add3A_119 = arith.addi %mul3A_78, %add3A_118 : i32
      %lt3A_120 = arith.constant 50 : i32
      %lt3A_121 = arith.cmpi slt, %add3A_119, %lt3A_120 : i32
      %convert_element_type3A_122 = arith.extui %lt3A_121 : i1 to i32
      %cond3A_123 = arith.constant 0 : i32
      %cond3A_124 = arith.cmpi ne, %convert_element_type3A_122, %cond3A_123 : i32
      scf.if %cond3A_124 {
        %dma_wait3A_125 = arith.constant 0 : i32
        %dma_wait3A_126 = arith.constant 0 : i32
        %dma_wait3A_127 = tpu.memref_slice %arg5[%dma_wait3A_125, %dma_wait3A_126] : memref<50x128xi32, #tpu.memory_space<vmem>> -> memref<1x128xi32, #tpu.memory_space<vmem>>
        %dma_wait3A_128 = tpu.memref_squeeze %dma_wait3A_127 : memref<1x128xi32, #tpu.memory_space<vmem>> -> memref<128xi32, #tpu.memory_space<vmem>>
        %dma_wait3A_129 = arith.constant 0 : i32
        %dma_wait3A_130 = arith.constant 0 : i32
        %dma_wait3A_131 = tpu.memref_slice %arg3[%dma_wait3A_129, %dma_wait3A_130] : memref<100000x128xf32, #tpu.memory_space<hbm>> -> memref<100000x128xf32, #tpu.memory_space<hbm>>
        tpu.wait_indirect_dma semaphore(%arg19 : memref<!tpu.dma_semaphore, #tpu.memory_space<semaphore_mem>>) src(%dma_wait3A_131 : memref<100000x128xf32, #tpu.memory_space<hbm>>) dst(%arg12 : memref<128x128xf32, #tpu.memory_space<vmem>>)
        %mul3A_132 = arith.constant 128 : i32
        %mul3A_133 = arith.muli %add3A_119, %mul3A_132 : i32
        %add3A_134 = arith.addi %mul3A_2, %mul3A_133 : i32
        %dma_start3A_135 = arith.constant 0 : i32
        %dma_start3A_136 = tpu.memref_slice %arg4[%add3A_134, %dma_start3A_135] : memref<204800x128xf32, #tpu.memory_space<hbm>> -> memref<128x128xf32, #tpu.memory_space<hbm>>
        %dma_start3A_137 = arith.constant 0 : i32
        %dma_start3A_138 = tpu.memref_slice %arg4[%add3A_134, %dma_start3A_137] : memref<204800x128xf32, #tpu.memory_space<hbm>> -> memref<128x128xf32, #tpu.memory_space<hbm>>
        tpu.enqueue_dma source(%arg12 : memref<128x128xf32, #tpu.memory_space<vmem>>) target(%dma_start3A_138 : memref<128x128xf32, #tpu.memory_space<hbm>>) target_semaphore(%arg26 : memref<!tpu.dma_semaphore, #tpu.memory_space<semaphore_mem>>)
        %add3A_139 = arith.constant 6 : i32
        %add3A_140 = arith.addi %add3A_119, %add3A_139 : i32
        %lt3A_141 = arith.constant 50 : i32
        %lt3A_142 = arith.cmpi slt, %add3A_140, %lt3A_141 : i32
        %convert_element_type3A_143 = arith.extui %lt3A_142 : i1 to i32
        %cond3A_144 = arith.constant 0 : i32
        %cond3A_145 = arith.cmpi ne, %convert_element_type3A_143, %cond3A_144 : i32
        scf.if %cond3A_145 {
          %ge3A = arith.constant 1 : i32
          %ge3A_146 = arith.cmpi sge, %add3A_119, %ge3A : i32
          %convert_element_type3A_147 = arith.extui %ge3A_146 : i1 to i32
          %cond3A_148 = arith.constant 0 : i32
          %cond3A_149 = arith.cmpi ne, %convert_element_type3A_147, %cond3A_148 : i32
          scf.if %cond3A_149 {
            %dma_wait3A_158 = arith.constant 0 : i32
            %dma_wait3A_159 = tpu.memref_slice %arg4[%mul3A_2, %dma_wait3A_158] : memref<204800x128xf32, #tpu.memory_space<hbm>> -> memref<128x128xf32, #tpu.memory_space<hbm>>
            %dma_wait3A_160 = arith.constant 0 : i32
            %dma_wait3A_161 = tpu.memref_slice %arg4[%mul3A_2, %dma_wait3A_160] : memref<204800x128xf32, #tpu.memory_space<hbm>> -> memref<128x128xf32, #tpu.memory_space<hbm>>
            tpu.wait_dma2 semaphore(%arg25 : memref<!tpu.dma_semaphore, #tpu.memory_space<semaphore_mem>>) src(%arg11 : memref<128x128xf32, #tpu.memory_space<vmem>>) dst(%dma_wait3A_161 : memref<128x128xf32, #tpu.memory_space<hbm>>)
          } else {
          }
          %add3A_150 = arith.constant 6 : i32
          %add3A_151 = arith.addi %add3A_119, %add3A_150 : i32
          %dma_start3A_152 = arith.constant 0 : i32
          %dma_start3A_153 = tpu.memref_slice %arg5[%add3A_151, %dma_start3A_152] : memref<50x128xi32, #tpu.memory_space<vmem>> -> memref<1x128xi32, #tpu.memory_space<vmem>>
          %dma_start3A_154 = tpu.memref_squeeze %dma_start3A_153 : memref<1x128xi32, #tpu.memory_space<vmem>> -> memref<128xi32, #tpu.memory_space<vmem>>
          %dma_start3A_155 = arith.constant 0 : i32
          %dma_start3A_156 = arith.constant 0 : i32
          %dma_start3A_157 = tpu.memref_slice %arg3[%dma_start3A_155, %dma_start3A_156] : memref<100000x128xf32, #tpu.memory_space<hbm>> -> memref<100000x128xf32, #tpu.memory_space<hbm>>
          tpu.enqueue_indirect_dma source(%dma_start3A_157 : memref<100000x128xf32, #tpu.memory_space<hbm>>) target(%arg11 : memref<128x128xf32, #tpu.memory_space<vmem>>) offsets(%dma_start3A_154 : memref<128xi32, #tpu.memory_space<vmem>>) semaphore(%arg18 : memref<!tpu.dma_semaphore, #tpu.memory_space<semaphore_mem>>)
        } else {
        }
      } else {
      }
    }
    %scan3A_48 = arith.constant 8 : i32
    %dma_wait3A = arith.constant 0 : i32
    %dma_wait3A_49 = tpu.memref_slice %arg4[%mul3A_2, %dma_wait3A] : memref<204800x128xf32, #tpu.memory_space<hbm>> -> memref<128x128xf32, #tpu.memory_space<hbm>>
    %dma_wait3A_50 = arith.constant 0 : i32
    %dma_wait3A_51 = tpu.memref_slice %arg4[%mul3A_2, %dma_wait3A_50] : memref<204800x128xf32, #tpu.memory_space<hbm>> -> memref<128x128xf32, #tpu.memory_space<hbm>>
    tpu.wait_dma2 semaphore(%arg20 : memref<!tpu.dma_semaphore, #tpu.memory_space<semaphore_mem>>) src(%arg6 : memref<128x128xf32, #tpu.memory_space<vmem>>) dst(%dma_wait3A_51 : memref<128x128xf32, #tpu.memory_space<hbm>>)
    %dma_wait3A_52 = arith.constant 0 : i32
    %dma_wait3A_53 = tpu.memref_slice %arg4[%mul3A_2, %dma_wait3A_52] : memref<204800x128xf32, #tpu.memory_space<hbm>> -> memref<128x128xf32, #tpu.memory_space<hbm>>
    %dma_wait3A_54 = arith.constant 0 : i32
    %dma_wait3A_55 = tpu.memref_slice %arg4[%mul3A_2, %dma_wait3A_54] : memref<204800x128xf32, #tpu.memory_space<hbm>> -> memref<128x128xf32, #tpu.memory_space<hbm>>
    tpu.wait_dma2 semaphore(%arg21 : memref<!tpu.dma_semaphore, #tpu.memory_space<semaphore_mem>>) src(%arg7 : memref<128x128xf32, #tpu.memory_space<vmem>>) dst(%dma_wait3A_55 : memref<128x128xf32, #tpu.memory_space<hbm>>)
    %dma_wait3A_56 = arith.constant 0 : i32
    %dma_wait3A_57 = tpu.memref_slice %arg4[%mul3A_2, %dma_wait3A_56] : memref<204800x128xf32, #tpu.memory_space<hbm>> -> memref<128x128xf32, #tpu.memory_space<hbm>>
    %dma_wait3A_58 = arith.constant 0 : i32
    %dma_wait3A_59 = tpu.memref_slice %arg4[%mul3A_2, %dma_wait3A_58] : memref<204800x128xf32, #tpu.memory_space<hbm>> -> memref<128x128xf32, #tpu.memory_space<hbm>>
    tpu.wait_dma2 semaphore(%arg22 : memref<!tpu.dma_semaphore, #tpu.memory_space<semaphore_mem>>) src(%arg8 : memref<128x128xf32, #tpu.memory_space<vmem>>) dst(%dma_wait3A_59 : memref<128x128xf32, #tpu.memory_space<hbm>>)
    %dma_wait3A_60 = arith.constant 0 : i32
    %dma_wait3A_61 = tpu.memref_slice %arg4[%mul3A_2, %dma_wait3A_60] : memref<204800x128xf32, #tpu.memory_space<hbm>> -> memref<128x128xf32, #tpu.memory_space<hbm>>
    %dma_wait3A_62 = arith.constant 0 : i32
    %dma_wait3A_63 = tpu.memref_slice %arg4[%mul3A_2, %dma_wait3A_62] : memref<204800x128xf32, #tpu.memory_space<hbm>> -> memref<128x128xf32, #tpu.memory_space<hbm>>
    tpu.wait_dma2 semaphore(%arg23 : memref<!tpu.dma_semaphore, #tpu.memory_space<semaphore_mem>>) src(%arg9 : memref<128x128xf32, #tpu.memory_space<vmem>>) dst(%dma_wait3A_63 : memref<128x128xf32, #tpu.memory_space<hbm>>)
    %dma_wait3A_64 = arith.constant 0 : i32
    %dma_wait3A_65 = tpu.memref_slice %arg4[%mul3A_2, %dma_wait3A_64] : memref<204800x128xf32, #tpu.memory_space<hbm>> -> memref<128x128xf32, #tpu.memory_space<hbm>>
    %dma_wait3A_66 = arith.constant 0 : i32
    %dma_wait3A_67 = tpu.memref_slice %arg4[%mul3A_2, %dma_wait3A_66] : memref<204800x128xf32, #tpu.memory_space<hbm>> -> memref<128x128xf32, #tpu.memory_space<hbm>>
    tpu.wait_dma2 semaphore(%arg24 : memref<!tpu.dma_semaphore, #tpu.memory_space<semaphore_mem>>) src(%arg10 : memref<128x128xf32, #tpu.memory_space<vmem>>) dst(%dma_wait3A_67 : memref<128x128xf32, #tpu.memory_space<hbm>>)
    %dma_wait3A_68 = arith.constant 0 : i32
    %dma_wait3A_69 = tpu.memref_slice %arg4[%mul3A_2, %dma_wait3A_68] : memref<204800x128xf32, #tpu.memory_space<hbm>> -> memref<128x128xf32, #tpu.memory_space<hbm>>
    %dma_wait3A_70 = arith.constant 0 : i32
    %dma_wait3A_71 = tpu.memref_slice %arg4[%mul3A_2, %dma_wait3A_70] : memref<204800x128xf32, #tpu.memory_space<hbm>> -> memref<128x128xf32, #tpu.memory_space<hbm>>
    tpu.wait_dma2 semaphore(%arg25 : memref<!tpu.dma_semaphore, #tpu.memory_space<semaphore_mem>>) src(%arg11 : memref<128x128xf32, #tpu.memory_space<vmem>>) dst(%dma_wait3A_71 : memref<128x128xf32, #tpu.memory_space<hbm>>)
    %dma_wait3A_72 = arith.constant 0 : i32
    %dma_wait3A_73 = tpu.memref_slice %arg4[%mul3A_2, %dma_wait3A_72] : memref<204800x128xf32, #tpu.memory_space<hbm>> -> memref<128x128xf32, #tpu.memory_space<hbm>>
    %dma_wait3A_74 = arith.constant 0 : i32
    %dma_wait3A_75 = tpu.memref_slice %arg4[%mul3A_2, %dma_wait3A_74] : memref<204800x128xf32, #tpu.memory_space<hbm>> -> memref<128x128xf32, #tpu.memory_space<hbm>>
    tpu.wait_dma2 semaphore(%arg26 : memref<!tpu.dma_semaphore, #tpu.memory_space<semaphore_mem>>) src(%arg12 : memref<128x128xf32, #tpu.memory_space<vmem>>) dst(%dma_wait3A_75 : memref<128x128xf32, #tpu.memory_space<hbm>>)
    return
  }
}

</mosaic_0001>

<sc_bundles>
// kernel: kernel.3.cloned.1.call-start
scs
__scs_entry_jumppad:
0x0: {  	(pc) =	sbr.rel $0x88, $3  }
0x1: {  	(tag) =	ssettag $0x0;
	lr =	simm.s32 $0x1  }
0x2: {  	[smem:$0x3F9F] =	sst lr;
	_ =	strace $0xD0000000  }
0x3: {  	_ = 	snop  }
0x4: {  	_ = 	snop  }
0x5: {  	_ = 	snop  }
0x6: {  	_ = 	snop  }
0x7: {  	_ = 	snop  }
__scs_overlays_trampoline_lowered:
0x8: {  	[smem:$0x3FAE] =	sst s0  }
0x9: {  	[smem:$0x3FAF] =	sst s1  }
0xa: {  	[smem:$0x3FB0] =	sst s2  }
0xb: {  	[smem:$0x3FB1] =	sst s3  }
0xc: {  	[smem:$0x3FB2] =	sst s4  }
0xd: {  	[smem:$0x3FB3] =	sst s5  }
0xe: {  	[smem:$0x3FB4] =	sst s6  }
0xf: {  	[smem:$0x3FB5] =	sst s7  }
0x10: {  	[smem:$0x3FB6] =	sst s8  }
0x11: {  	[smem:$0x3FB7] =	sst s9;
	s0 =	simm.s32 @!p0 $0x0  }
0x12: {  	s1 =	sld [smem:$0x3F9D];
	s0 =	simm.s32 @p0 $0x1  }
0x13: {  	[smem:$0x3FB8] =	sst s0;
	s0 =	simm.s32 @!p1 $0x0  }
0x14: {  	s2 =	sld [smem:$0x3F9C];
	s0 =	simm.s32 @p1 $0x1  }
0x15: {  	[smem:$0x3FB9] =	sst s0;
	s0 =	simm.s32 @!p2 $0x0  }
0x16: {  	s3 =	sld [smem:$0x3FDB];
	s0 =	simm.s32 @p2 $0x1  }
0x17: {  	s4 =	simm.s32 $0x1BF5;
	[smem:$0x3FBB] =	sst s0  }
0x18: {  	s0 =	sld [smem:$0x3F9E];
	_ =	swait.ge [sflag:s4], $0x0  }
0x19: {  	s7 =	sld [smem:$0x3F9F]  }
0x1a: {  	s8 =	sadd.s32 $0xFFFFE003, lr  }
0x1b: {  	s9 =	sadd.s32 $0xFFFFFEF7, lr;
	s5 =	simm.s32 $0xFFFFFFFF;
	p2 =	slt.u32 s8, $0xFFFFF086  }
0x1c: {  	p1 =	slt.u32 s9, $0xF7A;
	s5 =	simm.s32 @!p2 $0x0  }
0x1d: {  	s5 =	simm.s32 @p1 $0x1;
	p0 =	seq.s32 s7, s2  }
0x1e: {  	s7 =	smul.u32 @!p0 $0xF7A, s2;
	p2 =	seq.s32 @!p0 s5, $0x0  }
0x1f: {  	s9 =	smul.u32 $0xF7A, s1;
	s8 =	simm.s32 @!p0 $0x1BF5;
	p2 =	por !p2, p0  }
0x20: {  	[sflag:s8] =	ssyncset.s32 @!p0 $0xFFFFF086;
	s6 =	sadd.s32 @!p0 s3, s7;
	s7 =	simm.s32 @!p0 $0x108  }
0x21: {  	s3 =	sadd.s32 s3, s9;
	s6 =	sadd.s32 @!p0 $0x88, s6;
	s7 =	simm.s32 @p2 $0x1082  }
0x22: {  	[simem:s7], [sflag:s8] =	dma.local @!p0 [hbm:s6], $0xF7A  }
0x23: {  	s9 =	sor.u32 $0xD0000000, s2;
	s6 =	simm.s32 $0x108;
	_ =	swait.ge @!p0 [sflag:s8], $0x0  }
0x24: {  	s3 =	sadd.s32 $0x88, s3;
	s6 =	simm.s32 @!p1 $0x1082;
	[sflag:s4] =	ssyncset.s32 $0xFFFFF086  }
0x25: {  	[simem:s6], [sflag:s4] =	dma.local [hbm:s3], $0xF7A  }
0x26: {  	[smem:$0x3F9F] =	sst s1;
	(tag) =	ssettag s2;
	_ =	strace s9  }
0x27: {  	s1 =	sld [smem:$0x3FAF]  }
0x28: {  	s2 =	sld [smem:$0x3FB0]  }
0x29: {  	s4 =	sld [smem:$0x3FB2]  }
0x2a: {  	p0 =	seq.s32 s5, $0x0;
	s5 =	sld [smem:$0x3FB3]  }
0x2b: {  	s6 =	sld [smem:$0x3FB4]  }
0x2c: {  	s7 =	sld [smem:$0x3FB5]  }
0x2d: {  	s3 =	simm.s32 $0x108;
	s8 =	sld [smem:$0x3FB6]  }
0x2e: {  	s3 =	simm.s32 @!p0 $0x1082;
	s9 =	sld [smem:$0x3FB7]  }
0x2f: {  	lr =	sadd.s32 s0, s3;
	s0 =	sld [smem:$0x3FAE]  }
0x30: {  	s3 =	sld [smem:$0x3FB1]  }
0x31: {  	[smem:$0x3FBA] =	sst s10  }
0x32: {  	s10 =	sld [smem:$0x3FB8];
	_ =	sdelay $0x3  }
0x33: {  	p0 =	seq.s32 s10, $0x1;
	s10 =	sld [smem:$0x3FBA];
	_ =	sdelay $0x3  }
0x34: {  	[smem:$0x3FBA] =	sst s10  }
0x35: {  	s10 =	sld [smem:$0x3FB9];
	_ =	sdelay $0x3  }
0x36: {  	p1 =	seq.s32 s10, $0x1;
	s10 =	sld [smem:$0x3FBA];
	_ =	sdelay $0x3  }
0x37: {  	[smem:$0x3FBA] =	sst s10  }
0x38: {  	s10 =	sld [smem:$0x3FBB]  }
0x39: {  	_ = 	snop;
	(pc) =	sbr.ind lr, $3  }
0x3a: {  	_ = 	snop  }
0x3b: {  	_ = 	snop  }
0x3c: {  	p2 =	seq.s32 s10, $0x1;
	s10 =	sld [smem:$0x3FBA]  }
0x3d: {  	_ =	shalt  }
0x3e: {  	_ =	shalt  }
0x3f: {  	_ =	shalt  }
0x40: {  	_ =	shalt  }
0x41: {  	_ =	shalt  }
0x42: {  	_ =	shalt  }
0x43: {  	_ =	shalt  }
0x44: {  	_ =	shalt  }
0x45: {  	_ =	shalt  }
0x46: {  	_ =	shalt  }
0x47: {  	_ =	shalt  }
0x48: {  	_ =	shalt  }
0x49: {  	_ =	shalt  }
0x4a: {  	_ =	shalt  }
0x4b: {  	_ =	shalt  }
0x4c: {  	_ =	shalt  }
0x4d: {  	_ =	shalt  }
0x4e: {  	_ =	shalt  }
0x4f: {  	_ =	shalt  }
0x50: {  	_ =	shalt  }
0x51: {  	_ =	shalt  }
0x52: {  	_ =	shalt  }
0x53: {  	_ =	shalt  }
0x54: {  	_ =	shalt  }
0x55: {  	_ =	shalt  }
0x56: {  	_ =	shalt  }
0x57: {  	_ =	shalt  }
0x58: {  	_ =	shalt  }
0x59: {  	_ =	shalt  }
0x5a: {  	_ =	shalt  }
0x5b: {  	_ =	shalt  }
0x5c: {  	_ =	shalt  }
0x5d: {  	_ =	shalt  }
0x5e: {  	_ =	shalt  }
0x5f: {  	_ =	shalt  }
0x60: {  	_ =	shalt  }
0x61: {  	_ =	shalt  }
0x62: {  	_ =	shalt  }
0x63: {  	_ =	shalt  }
0x64: {  	_ =	shalt  }
0x65: {  	_ =	shalt  }
0x66: {  	_ =	shalt  }
0x67: {  	_ =	shalt  }
0x68: {  	_ =	shalt  }
0x69: {  	_ =	shalt  }
0x6a: {  	_ =	shalt  }
0x6b: {  	_ =	shalt  }
0x6c: {  	_ =	shalt  }
0x6d: {  	_ =	shalt  }
0x6e: {  	_ =	shalt  }
0x6f: {  	_ =	shalt  }
0x70: {  	_ =	shalt  }
0x71: {  	_ =	shalt  }
0x72: {  	_ =	shalt  }
0x73: {  	_ =	shalt  }
0x74: {  	_ =	shalt  }
0x75: {  	_ =	shalt  }
0x76: {  	_ =	shalt  }
0x77: {  	_ =	shalt  }
0x78: {  	_ =	shalt  }
0x79: {  	_ =	shalt  }
0x7a: {  	_ =	shalt  }
0x7b: {  	_ =	shalt  }
0x7c: {  	_ =	shalt  }
0x7d: {  	_ =	shalt  }
0x7e: {  	_ =	shalt  }
0x7f: {  	_ =	shalt  }
0x80: {  	_ =	shalt  }
0x81: {  	_ =	shalt  }
0x82: {  	_ =	shalt  }
0x83: {  	_ =	shalt  }
0x84: {  	_ =	shalt  }
0x85: {  	_ =	shalt  }
0x86: {  	_ =	shalt  }
0x87: {  	_ =	shalt  }
.Lfunc_end0:
.L_simem_size_0:
called_computation_lowered:
.L_overlay_start_0:
0x88: {  	s2 =	sld [smem:$0x3FD9]  }
0x89: {  	s3 =	sld [smem:$0x3FFE];
	_ =	sdelay $0x1  }
0x8a: {  	s1 =	srdreg.scid  }
0x8b: {  	s0 =	sand.u32 $0x1, s1  }
0x8c: {  	s17 =	sshll.u32 s0, $0xA;
	s2 =	sadd.s32 s3, s2  }
0x8d: {  	s2 =	sadd.s32 s2, s17  }
0x8e: {  	[smem:$0x3FC6] =	sst s2  }
0x8f: {  	_ = 	snop  }
0x90: {  	s2 =	sld [smem:$0x3FC8]  }
0x91: {  	s18 =	sld [smem:$0x3FD0];
	(tm) =	ssettm $0x1  }
0x92: {  	s4 =	sld [smem:$0x3FFB];
	_ =	sdelay $0x3  }
0x93: {  	_ =	strace s4  }
0x94: {  	s4 =	sld [smem:$0x3FFC];
	_ =	sdelay $0x3  }
0x95: {  	_ =	strace s4  }
0x96: {  	s4 =	sld [smem:$0x3FFD];
	_ =	sdelay $0x3  }
0x97: {  	_ =	strace s4  }
0x98: {  	_ =	strace $0x8FFFFFFF  }
0x99: {  	s19 =	sld [smem:$0x3FDB];
	_ =	sdelay $0x1  }
0x9a: {  	s5 =	simm.s32 $_scs_section_size  }
0x9b: {  	s6 =	simm.s32 $_size__tile_overlayer_lowered;
	s7 =	simm.s32 $_tile_overlayer_lowered  }
0x9c: {  	s22 =	simm.s32 $0x1BFF;
	s21 =	sshll.u32 s7, $0x1;
	s4 =	sadd.s32 s5, s19  }
0x9d: {  	s8 =	simm.s32 $0x0;
	s20 =	sshll.u32 s6, $0x1;
	s6 =	sadd.s32 s21, s4  }
0x9e: {  	[timem:s8], [sflag:s22] =	dma.local [hbm:s6], s20  }
0x9f: {  	_ =	swait.ge [sflag:s22], s20  }
0xa0: {  	s5 =	ssub.s32 $0x0, s20;
	[sflag:s22] =	ssyncset.done $0x0  }
0xa1: {  	[sflag:s22] =	ssyncadd.s32 s5;
	_ =	sdelay $0x1  }
0xa2: {  	s23 =	simm.s32 $0x1B8B  }
0xa3: {  	_ =	swait.ge [sflag:s23], $0x1  }
0xa4: {  	[sflag:s23] =	ssyncset.done $0x0  }
0xa5: {  	s25 =	simm.s32 $0x1B8E;
	s24 =	sld [smem:$0x3FFE];
	[sflag:s23] =	ssyncadd.s32 $0xFFFFFFFF  }
0xa6: {  	s26 =	simm.s32 $execute0_lowered;
	[smem:$0x3FD2] =	sst s25  }
0xa7: {  	s6 =	sshll.u32 s26, $0x1;
	_ =	strace $0x80000046;
	[dreg:$0x1] =	wrdreg $0xFFFFFFFF  }
0xa8: {  	s28 =	simm.s32 $_size_execute0_lowered;
	s4 =	sadd.s32 s4, s6;
	[dreg:$0x0] =	wrdreg $0x0  }
0xa9: {  	s6 =	sshll.u32 s28, $0x1;
	[dreg:$0x2] =	wrdreg s4  }
0xaa: {  	[dreg:$0x3] =	wrdreg s6  }
0xab: {  	[dreg:$0x4] =	wrdreg $0xC0  }
0xac: {  	_ =	task [dreg:s8], $0x5FFFF  }
0xad: {  	[dreg:$0x1] =	wrdreg $0xFFFFFFFF  }
0xae: {  	[dreg:$0x0] =	wrdreg $0x60  }
0xaf: {  	[dreg:$0x2] =	wrdreg s24  }
0xb0: {  	[dreg:$0x3] =	wrdreg s2  }
0xb1: {  	[dreg:$0x4] =	wrdreg s18  }
0xb2: {  	[dreg:$0x5] =	wrdreg $0x9  }
0xb3: {  	_ =	task.clear_ibuf [dreg:s8], $0x6FFFF;
	_ =	strace $0x90000046  }
0xb4: {  	s29 =	simm.s32 $0x9;
	_ =	strace $0x80000048  }
0xb5: {  	_ =	swait.ge [sflag:s29], $0x1  }
0xb6: {  	[sflag:s29] =	ssyncadd.s32 $0xFFFFFFFF  }
0xb7: {  	_ =	strace $0x90000048  }
0xb8: {  	_ =	sfence  }
0xb9: {  	s30 =	sld [smem:$0x0];
	_ =	sdelay $0x2  }
0xba: {  	s31 =	sshll.u32 s1, $0xD;
	s1 =	sshrl.u32 s1, $0x2  }
0xbb: {  	s3 =	sand.u32 $0x4000, s31;
	s1 =	sadd.s32 s1, s30  }
0xbc: {  	s0 =	sor.u32 s3, s0;
	s1 =	sshll.u32 s1, $0x11  }
0xbd: {  	s0 =	sor.u32 s1, s0  }
0xbe: {  	s0 =	sadd.s32 $0x8F2B, s0  }
0xbf: {  	[sflag:s0] =	ssyncadd.remote.s32 $0x1  }
0xc0: {  	_ =	sfence.sel $0xFFFF  }
0xc1: {  	[dreg:$0x0] =	wrdreg $0xFFFFFFFF;
	(pc) =	sbr.abs _section_cstart, $3  }
0xc2: {  	[dreg:$0x1] =	wrdreg $0xFFFFFFFF  }
0xc3: {  	_ =	task.clear_ibuf [dreg:s8], $0x2FFFF;
	_ =	strace $0x9FFFFFFF  }
0xc4: {  	(tm) =	ssettm $0x7FFFFFFF  }
0xc5: {  	_ =	shalt  }
tec
execute0_lowered:
.L_overlay_start_1:
0x0: {  	(tag) =	ssettag $0x1  }
0x1: {  	s1 =	rddreg [dreg:$0x0]  }
0x2: {  	s0 =	srdreg.scid;
	s2 =	rddreg [dreg:$0x1]  }
0x3: {  	s9 =	stileid.u32;
	s4 =	rddreg [dreg:$0x2];
	s14 =	simm.s32 $0x80  }
0x4: {  	s15 =	simm.s32 $0x1C00;
	s16 =	simm.s32 $0x5C00;
	s28 =	simm.s32 $0x2  }
0x5: {  	s29 =	simm.s32 $0x8;
	s30 =	simm.s32 $0x3;
	s8 =	smul.u32 $0xC8000, s9  }
0x6: {  	s31 =	simm.s32 $0x5;
	s0 =	sand.u32 $0x1, s0;
	s19 =	smul.u32 $0x19000, s9  }
0x7: {  	s3 =	sshll.u32 s0, $0x4;
	s6 =	smul.u32 $0x190000, s0;
	s7 =	ssub.s32 $0x2, s0  }
0x8: {  	s0 =	smul.u32 $0xC80000, s0;
	s5 =	sor.u32 s9, s3;
	s3 =	simm.s32 $0x0  }
0x9: {  	s18 =	sshrl.u32 s7, $0x1;
	s5 =	smul.u32 $0x380, s5;
	[smem:$0x7FF] =	sst s3  }
0xa: {  	s20 =	sadd.s32 s6, s4;
	s0 =	sadd.s32 s8, s0;
	_ =	strace $0x80000047  }
0xb: {  	s6 =	sadd.s32 s19, s20;
	s21 =	sadd.s32 $0x14000, s0;
	s22 =	sadd.s32 $0xC000, s0  }
0xc: {  	s23 =	sadd.s32 $0x18000, s0;
	s25 =	sadd.s32 $0x10000, s0;
	s26 =	sadd.s32 $0x8000, s0  }
0xd: {  	s0 =	sor.u32 $0x4000, s0;
	s1 =	sadd.s32 s5, s1;
	s5 =	ssub.s32 s7, s18  }
0xe: {  	s24 =	sshrl.u32 s23, $0x3;
	s0 =	sshrl.u32 s0, $0x3;
	s18 =	simm.s32 $0x9C00  }
0xf: {  	s23 =	simm.s32 $0xE;
	s1 =	sadd.s32 $0x400, s1;
	s5 =	smax.u32 s5, $0x1  }
0x10: {  	s9 =	sadd.s32 s24, s4;
	s12 =	sadd.s32 s0, s4;
	[dreg:$0x4] =	wrdreg s1  }
.Ltmp0:
0x11: {  	[dreg:$0x5] =	wrdreg s5;
	s1 =	sshrl.u32 s21, $0x3;
	(pc) =	sbr.rel .LBB2_1-.Ltmp0, $4  }
0x12: {  	s5 =	sshrl.u32 s22, $0x3;
	s22 =	simm.s32 $0x11C00;
	s7 =	sadd.s32 s1, s4  }
0x13: {  	s8 =	sadd.s32 s5, s4;
	s1 =	sshrl.u32 s25, $0x3;
	s5 =	sshrl.u32 s26, $0x3  }
0x14: {  	s25 =	simm.s32 $0x1;
	s26 =	simm.s32 $0x19C00;
	s10 =	sadd.s32 s1, s4  }
0x15: {  	s11 =	sadd.s32 s5, s4;
	s1 =	simm.s32 $0x7;
	s4 =	simm.s32 $0x0  }
.LBB2_6:
0x16: {  	_ =	swait.ge [sflag:s29], $0x4000  }
0x17: {  	[sflag:s29] =	ssyncset.done $0x0  }
0x18: {  	s0 =	simm.s32 $0x9;
	[sflag:s29] =	ssyncadd.s32 $0xFFFFC000  }
0x19: {  	_ =	swait.ge [sflag:s0], $0x4000  }
0x1a: {  	[sflag:s0] =	ssyncset.done $0x0  }
0x1b: {  	s17 =	simm.s32 $0xA;
	[sflag:s0] =	ssyncadd.s32 $0xFFFFC000  }
0x1c: {  	_ =	swait.ge [sflag:s17], $0x4000  }
0x1d: {  	[sflag:s17] =	ssyncset.done $0x0  }
0x1e: {  	s19 =	simm.s32 $0xB;
	[sflag:s17] =	ssyncadd.s32 $0xFFFFC000  }
0x1f: {  	_ =	swait.ge [sflag:s19], $0x4000  }
0x20: {  	[sflag:s19] =	ssyncset.done $0x0  }
0x21: {  	s20 =	simm.s32 $0xC;
	[sflag:s19] =	ssyncadd.s32 $0xFFFFC000  }
0x22: {  	_ =	swait.ge [sflag:s20], $0x4000  }
0x23: {  	[sflag:s20] =	ssyncset.done $0x0  }
0x24: {  	s21 =	simm.s32 $0xD;
	[sflag:s20] =	ssyncadd.s32 $0xFFFFC000  }
0x25: {  	_ =	swait.ge [sflag:s21], $0x4000  }
0x26: {  	[sflag:s21] =	ssyncset.done $0x0  }
0x27: {  	[sflag:s21] =	ssyncadd.s32 $0xFFFFC000  }
0x28: {  	_ =	swait.ge [sflag:s23], $0x4000  }
0x29: {  	s4 =	rddreg [dreg:$0x6]  }
0x2a: {  	s24 =	rddreg [dreg:$0x5];
	s4 =	sadd.s32 $0x1, s4  }
0x2b: {  	p0 =	sne.s32 s4, s24  }
.Ltmp1:
0x2c: {  	_ = 	snop;
	(pc) =	sbr.rel @!p0 .LBB2_7-.Ltmp1, $3  }
0x2d: {  	_ =	sdelay $0x1  }
0x2e: {  	[sflag:s23] =	ssyncset.done $0x0  }
0x2f: {  	[sflag:s23] =	ssyncadd.s32 $0xFFFFC000  }
.LBB2_1:
0x30: {  	[dreg:$0x6] =	wrdreg s4  }
0x31: {  	s0 =	rddreg [dreg:$0x4];
	s5 =	simm.s32 $0xF  }
0x32: {  	[tilespmem:s3], [sflag:$0xF] =	stream.linear.gather [hbm4b:s0+s3], $0x1900, $0x38;
	[tilespmem:$0x1DC00] =	vst v63  }
0x33: {  	_ =	swait.ge [sflag:s5], $0x1900  }
0x34: {  	[sflag:s5] =	ssyncset.done $0x0  }
0x35: {  	[sflag:s5] =	ssyncadd.s32 $0xFFFFE700  }
0x36: {  	[tilespmem:s15], [sflag:$0x1] =	stream.indirect.gather [hbm4b:s2+s14], $0x80, s3, s14, $0xb8;
	[tilespmem:$0x1DC00] =	vst v63  }
0x37: {  	_ = 	snop  }
0x38: {  	[tilespmem:s16], [sflag:$0x2] =	stream.indirect.gather [hbm4b:s2+s14], $0x80, s14, s14, $0xb8;
	[tilespmem:$0x1DC00] =	vst v63  }
0x39: {  	s13 =	simm.s32 $0x100  }
0x3a: {  	[tilespmem:s18], [sflag:$0x3] =	stream.indirect.gather [hbm4b:s2+s14], $0x80, s13, s14, $0xb8;
	[tilespmem:$0x1DC00] =	vst v63  }
0x3b: {  	s17 =	simm.s32 $0x180;
	s19 =	simm.s32 $0xDC00  }
0x3c: {  	[tilespmem:s19], [sflag:$0x4] =	stream.indirect.gather [hbm4b:s2+s14], $0x80, s17, s14, $0xb8;
	[tilespmem:$0x1DC00] =	vst v63  }
.Ltmp2:
0x3d: {  	_ = 	snop;
	(pc) =	sbr.rel .LBB2_2-.Ltmp2, $4  }
0x3e: {  	s20 =	simm.s32 $0x200;
	s21 =	simm.s32 $0x280;
	s24 =	simm.s32 $0x15C00  }
0x3f: {  	[tilespmem:s22], [sflag:$0x5] =	stream.indirect.gather [hbm4b:s2+s14], $0x80, s20, s14, $0xb8;
	[tilespmem:$0x1DC00] =	vst v63  }
0x40: {  	s4 =	simm.s32 $0x600;
	s5 =	simm.s32 $0x0;
	s13 =	simm.s32 $0x0  }
0x41: {  	[tilespmem:s24], [sflag:$0x6] =	stream.indirect.gather [hbm4b:s2+s14], $0x80, s21, s14, $0xb8;
	[tilespmem:$0x1DC00] =	vst v63  }
.LBB2_5:
0x42: {  	s0 =	sadd.s32 $0xFFFFFD00, s4  }
0x43: {  	[tilespmem:s26], [sflag:$0x7] =	stream.indirect.gather [hbm4b:s2+s14], $0x80, s0, s14, $0xb8;
	[tilespmem:$0x1DC00] =	vst v63  }
0x44: {  	_ =	swait.ge [sflag:s28], $0x4000  }
0x45: {  	[sflag:s28] =	ssyncset.done $0x0  }
0x46: {  	s19 =	sadd.s32 s5, s12;
	[sflag:s28] =	ssyncadd.s32 $0xFFFFC000  }
0x47: {  	[hbm4b:s19+s3] =	stream.linear.scatter [tilespmem:s16], [sflag:$0x9], $0x4000, $0x38;
	[tilespmem:$0x1DC00] =	vst v63  }
0x48: {  	_ =	swait.ge [sflag:s29], $0x4000  }
0x49: {  	[sflag:s29] =	ssyncset.done $0x0  }
0x4a: {  	s20 =	sadd.s32 $0xFFFFFD80, s4;
	[sflag:s29] =	ssyncadd.s32 $0xFFFFC000  }
0x4b: {  	[tilespmem:s15], [sflag:$0x1] =	stream.indirect.gather [hbm4b:s2+s14], $0x80, s20, s14, $0xb8;
	[tilespmem:$0x1DC00] =	vst v63  }
0x4c: {  	_ =	swait.ge [sflag:s30], $0x4000  }
0x4d: {  	p0 =	sgt.u32 s13, $0x5;
	[sflag:s30] =	ssyncset.done $0x0  }
0x4e: {  	s21 =	sadd.s32 s5, s11;
	s0 =	simm.s32 @p0 $0x4;
	[sflag:s30] =	ssyncadd.s32 $0xFFFFC000  }
0x4f: {  	[hbm4b:s21+s3] =	stream.linear.scatter [tilespmem:s18], [sflag:$0xA], $0x4000, $0x38;
	[tilespmem:$0x1DC00] =	vst v63  }
0x50: {  	_ =	swait.ge @p0 [sflag:s0], $0x4000  }
0x51: {  	s17 =	simm.s32 @p0 $0x0;
	[sflag:s0] =	ssyncset.done @p0 $0x0  }
0x52: {  	s19 =	simm.s32 @p0 $0xDC00;
	[sflag:s0] =	ssyncadd.s32 @p0 $0xFFFFC000;
	s0 =	sadd.s32 @p0 s5, s8  }
0x53: {  	[hbm4b:s0+s17] =	stream.linear.scatter @p0 [tilespmem:s19], [sflag:$0xB], $0x4000, $0x38;
	[tilespmem:$0x1DC00] =	vst v63  }
0x54: {  	s0 =	simm.s32 @!p0 $0x9  }
0x55: {  	_ =	swait.ge @!p0 [sflag:s0], $0x4000  }
0x56: {  	s20 =	simm.s32 @!p0 $0x5C00;
	[sflag:s0] =	ssyncset.done @!p0 $0x0  }
0x57: {  	s19 =	simm.s32 @!p0 $0x80;
	[sflag:s0] =	ssyncadd.s32 @!p0 $0xFFFFC000;
	s0 =	sadd.s32 @!p0 $0xFFFFFE00, s4  }
0x58: {  	[tilespmem:s20], [sflag:$0x2] =	stream.indirect.gather @!p0 [hbm4b:s2+s19], $0x80, s0, s19, $0xb8;
	[tilespmem:$0x1DC00] =	vst v63  }
0x59: {  	s0 =	simm.s32 @!p0 $0x4  }
0x5a: {  	_ =	swait.ge @!p0 [sflag:s0], $0x4000  }
0x5b: {  	s21 =	simm.s32 @!p0 $0xDC00;
	[sflag:s0] =	ssyncset.done @!p0 $0x0  }
0x5c: {  	s20 =	simm.s32 @!p0 $0x0;
	[sflag:s0] =	ssyncadd.s32 @!p0 $0xFFFFC000;
	s0 =	sadd.s32 @!p0 s5, s8  }
0x5d: {  	[hbm4b:s0+s20] =	stream.linear.scatter @!p0 [tilespmem:s21], [sflag:$0xB], $0x4000, $0x38;
	[tilespmem:$0x1DC00] =	vst v63  }
0x5e: {  	s0 =	simm.s32 @!p0 $0xA  }
0x5f: {  	_ =	swait.ge @!p0 [sflag:s0], $0x4000  }
0x60: {  	[sflag:s0] =	ssyncset.done @!p0 $0x0  }
0x61: {  	s24 =	simm.s32 @!p0 $0x9C00;
	[sflag:s0] =	ssyncadd.s32 @!p0 $0xFFFFC000;
	s0 =	sadd.s32 @!p0 $0xFFFFFE80, s4  }
0x62: {  	[tilespmem:s24], [sflag:$0x3] =	stream.indirect.gather @!p0 [hbm4b:s2+s19], $0x80, s0, s19, $0xb8;
	[tilespmem:$0x1DC00] =	vst v63  }
0x63: {  	_ =	swait.ge [sflag:s31], $0x4000  }
0x64: {  	[sflag:s31] =	ssyncset.done $0x0  }
0x65: {  	s24 =	sadd.s32 s5, s10;
	s0 =	simm.s32 @p0 $0x6;
	[sflag:s31] =	ssyncadd.s32 $0xFFFFC000  }
0x66: {  	[hbm4b:s24+s3] =	stream.linear.scatter [tilespmem:s22], [sflag:$0xC], $0x4000, $0x38;
	[tilespmem:$0x1DC00] =	vst v63  }
0x67: {  	_ =	swait.ge @p0 [sflag:s0], $0x4000  }
0x68: {  	[sflag:s0] =	ssyncset.done @p0 $0x0  }
0x69: {  	s24 =	simm.s32 @p0 $0x15C00;
	[sflag:s0] =	ssyncadd.s32 @p0 $0xFFFFC000;
	s0 =	sadd.s32 @p0 s5, s7  }
0x6a: {  	[hbm4b:s0+s17] =	stream.linear.scatter @p0 [tilespmem:s24], [sflag:$0xD], $0x4000, $0x38;
	[tilespmem:$0x1DC00] =	vst v63  }
0x6b: {  	s0 =	simm.s32 @!p0 $0xB  }
0x6c: {  	_ =	swait.ge @!p0 [sflag:s0], $0x4000  }
0x6d: {  	[sflag:s0] =	ssyncset.done @!p0 $0x0  }
0x6e: {  	[sflag:s0] =	ssyncadd.s32 @!p0 $0xFFFFC000;
	s0 =	sadd.s32 @!p0 $0xFFFFFF00, s4  }
0x6f: {  	[tilespmem:s21], [sflag:$0x4] =	stream.indirect.gather @!p0 [hbm4b:s2+s19], $0x80, s0, s19, $0xb8;
	[tilespmem:$0x1DC00] =	vst v63  }
0x70: {  	s0 =	simm.s32 @!p0 $0x6  }
0x71: {  	_ =	swait.ge @!p0 [sflag:s0], $0x4000  }
0x72: {  	[sflag:s0] =	ssyncset.done @!p0 $0x0  }
0x73: {  	s17 =	simm.s32 @!p0 $0x15C00;
	[sflag:s0] =	ssyncadd.s32 @!p0 $0xFFFFC000;
	s0 =	sadd.s32 @!p0 s5, s7  }
0x74: {  	[hbm4b:s0+s20] =	stream.linear.scatter @!p0 [tilespmem:s17], [sflag:$0xD], $0x4000, $0x38;
	[tilespmem:$0x1DC00] =	vst v63  }
0x75: {  	s0 =	simm.s32 @!p0 $0xC  }
0x76: {  	_ =	swait.ge @!p0 [sflag:s0], $0x4000  }
0x77: {  	[sflag:s0] =	ssyncset.done @!p0 $0x0  }
0x78: {  	s20 =	simm.s32 @!p0 $0x11C00;
	[sflag:s0] =	ssyncadd.s32 @!p0 $0xFFFFC000;
	s0 =	sadd.s32 @!p0 $0xFFFFFF80, s4  }
0x79: {  	[tilespmem:s20], [sflag:$0x5] =	stream.indirect.gather @!p0 [hbm4b:s2+s19], $0x80, s0, s19, $0xb8;
	[tilespmem:$0x1DC00] =	vst v63  }
0x7a: {  	_ =	swait.ge [sflag:s1], $0x4000  }
0x7b: {  	[sflag:s1] =	ssyncset.done $0x0  }
0x7c: {  	s24 =	sadd.s32 s5, s9;
	s0 =	simm.s32 @!p0 $0xD;
	[sflag:s1] =	ssyncadd.s32 $0xFFFFC000  }
0x7d: {  	[hbm4b:s24+s3] =	stream.linear.scatter [tilespmem:s26], [sflag:$0xE], $0x4000, $0x38;
	[tilespmem:$0x1DC00] =	vst v63  }
0x7e: {  	_ =	swait.ge @!p0 [sflag:s0], $0x4000  }
0x7f: {  	[sflag:s0] =	ssyncset.done @!p0 $0x0  }
0x80: {  	s5 =	sadd.s32 $0x3800, s5;
	[sflag:s0] =	ssyncadd.s32 @!p0 $0xFFFFC000  }
0x81: {  	[tilespmem:s17], [sflag:$0x6] =	stream.indirect.gather @!p0 [hbm4b:s2+s19], $0x80, s4, s19, $0xb8;
	[tilespmem:$0x1DC00] =	vst v63  }
0x82: {  	p0 =	sne.s32 s5, $0x1C000  }
.Ltmp3:
0x83: {  	_ = 	snop;
	(pc) =	sbr.rel @!p0 .LBB2_6-.Ltmp3, $2  }
0x84: {  	_ =	sdelay $0x2  }
0x85: {  	s13 =	sadd.s32 $0x1, s13;
	s4 =	sadd.s32 $0x380, s4  }
.LBB2_2:
0x86: {  	p0 =	seq.s32 s13, $0x0  }
.Ltmp4:
0x87: {  	_ = 	snop;
	(pc) =	sbr.rel @p0 .LBB2_5-.Ltmp4, $4  }
0x88: {  	_ =	swait.ge [sflag:s25], $0x4000  }
0x89: {  	[sflag:s25] =	ssyncset.done $0x0  }
0x8a: {  	s0 =	sadd.s32 s5, s6;
	[sflag:s25] =	ssyncadd.s32 $0xFFFFC000  }
0x8b: {  	[hbm4b:s0+s3] =	stream.linear.scatter [tilespmem:s15], [sflag:$0x8], $0x4000, $0x38;
	[tilespmem:$0x1DC00] =	vst v63  }
0x8c: {  	p0 =	seq.s32 s13, $0x7  }
.Ltmp5:
0x8d: {  	_ = 	snop;
	(pc) =	sbr.rel @p0 .LBB2_6-.Ltmp5, $1  }
0x8e: {  	_ =	sdelay $0x3  }
.Ltmp6:
0x8f: {  	(pc) =	sbr.rel .LBB2_5-.Ltmp6, $4  }
0x90: {  	_ = 	snop  }
0x91: {  	_ =	swait.ge [sflag:s23], $0x4000  }
0x92: {  	[sflag:s23] =	ssyncset.done $0x0  }
0x93: {  	[sflag:s23] =	ssyncadd.s32 $0xFFFFC000  }
.LBB2_7:
0x94: {  	_ =	sfence.sel $0x180000  }
0x95: {  	[bflag:$0x0] =	sbarrier.arrive $0xFFFF  }
0x96: {  	_ =	strace $0x90000047  }
0x97: {  	s0 =	stileid.u32;
	[bflag:$0x2] =	sbarrier.arrive $0xFFFF  }
0x98: {  	p0 =	sne.s32 s0, $0x0;
	s0 =	rddreg [dreg:$0x3]  }
0x99: {  	s0 =	sadd.s32 @!p0 $0x100000, s0  }
0x9a: {  	[sflag:s0] =	ssyncadd.tile.s32 @!p0 $0x1;
	_ =	shalt  }
.Lfunc_end2:
_tile_overlayer_lowered:
.L_overlay_start_2:
0x9b: {  	(tag) =	ssettag $0x2  }
0x9c: {  	s0 =	rddreg [dreg:$0x0];
	s2 =	stileid.u32  }
0x9d: {  	s1 =	rddreg [dreg:$0x1];
	p0 =	sne.s32 s2, $0x0  }
0x9e: {  	s3 =	rddreg [dreg:$0x2];
	[bflag:$0x3] =	sbarrier.arrive $0xFFFF;
	s2 =	simm.s32 @!p0 $0x1C0F  }
0x9f: {  	[timem:s3], [sflag:s2] =	dma.local @!p0 [hbm:s0], s1  }
0xa0: {  	s0 =	simm.s32 @!p0 $0xF  }
0xa1: {  	_ =	swait.ge @!p0 [sflag:s0], s1  }
0xa2: {  	s1 =	ssub.s32 @!p0 $0x0, s1;
	[sflag:s0] =	ssyncset.done @!p0 $0x0  }
0xa3: {  	[sflag:s0] =	ssyncadd.s32 @!p0 s1  }
0xa4: {  	[bflag:$0x3] =	sbarrier.arrive $0xFFFF  }
0xa5: {  	_ =	shalt  }

</sc_bundles>
